<compile_context>
chip_gen: v7x
topology: tpu7x:2x2x1
jax: 0.10.2.dev20260603
libtpu: 0.0.44.dev20260713+nightly
codegen_flags: <defaults>
</compile_context>

<pallas_src>
import functools

import jax
import jax.numpy as jnp
from jax import lax
from jax.experimental import pallas as pl
from jax.experimental.pallas import tpu as pltpu
from jax.experimental.pallas import tpu_sc as plsc

B = 16384
NCOL = 17
NS = 8
VOCAB = 100000
EMB = 106
DENSE = NCOL - NS
DEMB = NS * EMB

NC = 2
NSUB = 16
NW = NC * NSUB
L = 16

CPW = 27
OUTCH = 4096


def _gather_sc(tabT, idxT):
    mesh = plsc.VectorSubcoreMesh(core_axis_name="c", subcore_axis_name="s")

    @functools.partial(
        pl.kernel,
        mesh=mesh,
        compiler_params=pltpu.CompilerParams(needs_layout_passes=False),
        out_type=jax.ShapeDtypeStruct((DEMB * B,), jnp.float32),
        scratch_types=[
            pltpu.VMEM((1, VOCAB), jnp.float32),
            pltpu.VMEM((B,), jnp.int32),
            pltpu.VMEM((2, OUTCH), jnp.float32),
            pltpu.SemaphoreType.DMA,
            pltpu.SemaphoreType.DMA,
            pltpu.SemaphoreType.DMA,
        ],
    )
    def k(tabT_hbm, idxT_hbm, out_hbm, slab_v, idx_v, outb_v, sem0, sem1,
          semS):
        wid = lax.axis_index("s") * NC + lax.axis_index("c")
        t = wid % NS
        c0 = (wid // NS) * CPW
        ncols = jnp.maximum(0, jnp.minimum(CPW, EMB - c0))
        zero16 = jnp.zeros((L,), jnp.int32)
        sems = [sem0, sem1]
        pltpu.sync_copy(idxT_hbm.at[pl.ds(t * B, B)], idx_v)

        def col_of(i):
            return jnp.minimum(c0 + i, EMB - 1) * NS + t

        def prefetch_slab(jrow):
            pltpu.async_copy(tabT_hbm.at[pl.ds(jrow, 1)], slab_v, semS)

        def wait_slab():
            pltpu.make_async_copy(
                tabT_hbm.at[pl.ds(0, 1)], slab_v, semS).wait()

        prefetch_slab(col_of(0))

        def col_body(i, carry):
            j = (c0 + i) * NS + t
            wait_slab()
            for cc in range(B // OUTCH):
                buf = cc % 2
                if cc >= 2:
                    pltpu.make_async_copy(
                        outb_v.at[buf], out_hbm.at[pl.ds(0, OUTCH)],
                        sems[buf]).wait()
                ob = cc * OUTCH
                def chunk_body(q, carry2):
                    boff = q * (L * 8)
                    for u in range(8):
                        iv = idx_v[pl.ds(ob + boff + u * L, L)]
                        outb_v[buf, pl.ds(boff + u * L, L)] = (
                            plsc.load_gather(slab_v, [zero16, iv]))
                    return carry2
                lax.fori_loop(0, OUTCH // (L * 8), chunk_body, 0)
                if cc == B // OUTCH - 1:
                    prefetch_slab(col_of(i + 1))
                pltpu.async_copy(outb_v.at[buf],
                                 out_hbm.at[pl.ds(j * B + ob, OUTCH)],
                                 sems[buf])
            for buf in range(2):
                pltpu.make_async_copy(
                    outb_v.at[buf], out_hbm.at[pl.ds(0, OUTCH)],
                    sems[buf]).wait()
            return carry

        lax.fori_loop(0, ncols, col_body, 0)
        wait_slab()

    return k(tabT, idxT)


BLK = 1024


def _rtne_bf16(x):
    u = lax.bitcast_convert_type(x, jnp.uint32)
    rb = (u >> 16) & jnp.uint32(1)
    u = (u + jnp.uint32(0x7FFF) + rb) & jnp.uint32(0xFFFF0000)
    return lax.bitcast_convert_type(u, jnp.float32).astype(jnp.bfloat16)


def _dotf(a_bf, b_bf):
    return jnp.dot(a_bf, b_bf, preferred_element_type=jnp.float32)


def _mlp_body(embt_ref, dense_ref, w1e_ref, w1d_ref, b1_ref, w2_ref, b2_ref,
              w3_ref, b3_ref, out_ref):
    et = _rtne_bf16(embt_ref[...])
    h = lax.dot_general(et, w1e_ref[...], (((0,), (0,)), ((), ())),
                        preferred_element_type=jnp.float32)
    h = h + _dotf(dense_ref[...], w1d_ref[...])
    h = jax.nn.relu(h + b1_ref[...])
    h = jax.nn.relu(_dotf(_rtne_bf16(h), w2_ref[...]) + b2_ref[...])
    o = _dotf(_rtne_bf16(h), w3_ref[...]) + b3_ref[...]
    out_ref[...] = 1.0 / (1.0 + jnp.exp(-o))


def _mlp_tc(embt, dense, W1e, W1d, b1, W2, b2, W3, b3):
    grid = (B // BLK,)
    return pl.pallas_call(
        _mlp_body,
        grid=grid,
        in_specs=[
            pl.BlockSpec((DEMB, BLK), lambda i: (0, i)),
            pl.BlockSpec((BLK, DENSE), lambda i: (i, 0)),
            pl.BlockSpec((DEMB, 128), lambda i: (0, 0)),
            pl.BlockSpec((DENSE, 128), lambda i: (0, 0)),
            pl.BlockSpec((1, 128), lambda i: (0, 0)),
            pl.BlockSpec((128, 128), lambda i: (0, 0)),
            pl.BlockSpec((1, 128), lambda i: (0, 0)),
            pl.BlockSpec((128, 1), lambda i: (0, 0)),
            pl.BlockSpec((1, 1), lambda i: (0, 0)),
        ],
        out_specs=pl.BlockSpec((BLK, 1), lambda i: (i, 0)),
        out_shape=jax.ShapeDtypeStruct((B, 1), jnp.float32),
    )(embt, dense, W1e, W1d, b1, W2, b2, W3, b3)


def kernel(feature, tables, W1, b1, W2, b2, W3, b3):
    f = feature.reshape(-1, NCOL)
    sparse = f[:, :NS].astype(jnp.int32)
    dense = f[:, NS:]
    tabT = jnp.transpose(tables, (2, 0, 1)).reshape(DEMB, VOCAB)
    idxT = sparse.T.reshape(-1)
    embt = _gather_sc(tabT, idxT).reshape(DEMB, B)
    bf = jnp.bfloat16
    W1e = W1[:DEMB].reshape(NS, EMB, 128).transpose(1, 0, 2).reshape(DEMB, 128)
    out = _mlp_tc(embt, dense.astype(bf), W1e.astype(bf), W1[DEMB:].astype(bf),
                  b1.reshape(1, 128), W2.astype(bf), b2.reshape(1, 128),
                  W3.astype(bf), b3.reshape(1, 1))
    return out.reshape(-1)

# --- scband reference (transcript-rebuilt; emitter-appended) ---
"""Pipeline reference for scband-mlp-77558519431934 (READ-ONLY COPY).

The authoritative reference and input builder live on the scoring server;
editing this copy changes nothing except your own understanding.
"""

import jax, jax.numpy as jnp
import numpy as np

B = 16384
NCOL = 17
N_SPARSE = 8
VOCAB = 100000
EMB = int(6 * pow(VOCAB, 0.25))  # 106, matches torch embedding_size rule
D_IN = N_SPARSE * EMB + (NCOL - N_SPARSE)  # 857


def setup_inputs(seed: int = 0) -> dict:
    key = jax.random.key(seed)
    ks = jax.random.split(key, 8)
    feature = jax.random.randint(ks[0], (B, NCOL), 0, VOCAB).astype(jnp.float32)
    tables = jax.random.normal(ks[1], (N_SPARSE, VOCAB, EMB), dtype=jnp.float32) * 0.05
    W1 = jax.random.normal(ks[2], (D_IN, 128), dtype=jnp.float32) * (1.0 / np.sqrt(D_IN))
    b1 = jnp.zeros((128,), dtype=jnp.float32)
    W2 = jax.random.normal(ks[3], (128, 128), dtype=jnp.float32) * (1.0 / np.sqrt(128))
    b2 = jnp.zeros((128,), dtype=jnp.float32)
    W3 = jax.random.normal(ks[4], (128, 1), dtype=jnp.float32) * (1.0 / np.sqrt(128))
    b3 = jnp.zeros((1,), dtype=jnp.float32)
    return {"feature": feature, "tables": tables, "W1": W1, "b1": b1, "W2": W2, "b2": b2, "W3": W3, "b3": b3}


def reference(feature, tables, W1, b1, W2, b2, W3, b3):
    f = feature.reshape(-1, NCOL)
    sparse = f[:, :N_SPARSE].astype(jnp.int32)
    dense = f[:, N_SPARSE:]
    emb_list = []
    for i in range(N_SPARSE):
        idx = sparse[:, i]
        emb_list.append(jnp.take(tables[i], idx, axis=0))
    emb = jnp.concatenate(emb_list, axis=1)
    emb = jnp.concatenate([emb, dense], axis=1)
    h = jax.nn.relu(emb @ W1 + b1)
    h = jax.nn.relu(h @ W2 + b2)
    out = jax.nn.sigmoid(h @ W3 + b3)
    return out.reshape(-1)

if __name__ == "__main__":
    import jax
    _d = setup_inputs()
    print(jax.jit(kernel)(*tuple(_d.values())))

</pallas_src>

<mosaic_0001>
#map = affine_map<(d0, d1) -> (0, 0)>
#map1 = affine_map<(d0, d1) -> (0)>
module attributes {stable_mosaic.version = 14 : i64} {
  func.func @k(%arg0: i32, %arg1: i32, %arg2: memref<848x100000xf32, #tpu.memory_space<hbm>>, %arg3: memref<131072xi32, #tpu.memory_space<hbm>>, %arg4: memref<13893632xf32, #tpu.memory_space<hbm>>, %arg5: memref<1x100000xf32, #tpu.memory_space<vmem>>, %arg6: memref<16384xi32, #tpu.memory_space<vmem>>, %arg7: memref<2x4096xf32, #tpu.memory_space<vmem>>, %arg8: memref<!tpu.dma_semaphore, #tpu.memory_space<semaphore_mem>>, %arg9: memref<!tpu.dma_semaphore, #tpu.memory_space<semaphore_mem>>, %arg10: memref<!tpu.dma_semaphore, #tpu.memory_space<semaphore_mem>>) attributes {dimension_semantics = [#tpu.dimension_semantics<core_parallel>, #tpu.dimension_semantics<subcore_parallel>], iteration_bounds = array<i64: 2, 16>, scalar_prefetch = 0 : i64, scratch_operands = 6 : i64, tpu.core_type = #tpu.core_type<sc_vector_subcore>, window_params = [{transform_indices = #map}, {transform_indices = #map1}, {transform_indices = #map1}]} {
    %mul3A = arith.constant 2 : i32
    %mul3A_0 = arith.muli %arg1, %mul3A : i32
    %add3A = arith.addi %mul3A_0, %arg0 : i32
    %jit3A = arith.constant 8 : i32
    %eq3A = arith.constant 0 : i32
    %eq3A_1 = arith.cmpi eq, %jit3A, %eq3A : i32
    %jit3A_2 = arith.constant 1 : i32
    %select_n3A = arith.select %eq3A_1, %jit3A_2, %jit3A : i32
    %rem3A = arith.remsi %add3A, %select_n3A : i32
    %ne3A = arith.constant 0 : i32
    %ne3A_3 = arith.cmpi ne, %rem3A, %ne3A : i32
    %lt3A = arith.constant 0 : i32
    %lt3A_4 = arith.cmpi slt, %rem3A, %lt3A : i32
    %lt3A_5 = arith.constant 0 : i32
    %lt3A_6 = arith.cmpi slt, %select_n3A, %lt3A_5 : i32
    %ne3A_7 = arith.xori %lt3A_4, %lt3A_6 : i1
    %and3A = arith.andi %ne3A_7, %ne3A_3 : i1
    %add3A_8 = arith.addi %rem3A, %select_n3A : i32
    %select_n3A_9 = arith.select %and3A, %add3A_8, %rem3A : i32
    %jit3A_10 = arith.constant 8 : i32
    %div3A = arith.divsi %add3A, %jit3A_10 : i32
    %sign3A = arith.constant 0 : i32
    %sign3A_11 = arith.cmpi sgt, %add3A, %sign3A : i32
    %sign3A_12 = arith.extui %sign3A_11 : i1 to i32
    %sign3A_13 = arith.constant 0 : i32
    %sign3A_14 = arith.cmpi slt, %add3A, %sign3A_13 : i32
    %sign3A_15 = arith.extui %sign3A_14 : i1 to i32
    %sign3A_16 = arith.subi %sign3A_12, %sign3A_15 : i32
    %sign3A_17 = arith.constant 0 : i32
    %sign3A_18 = arith.cmpi sgt, %jit3A_10, %sign3A_17 : i32
    %sign3A_19 = arith.extui %sign3A_18 : i1 to i32
    %sign3A_20 = arith.constant 0 : i32
    %sign3A_21 = arith.cmpi slt, %jit3A_10, %sign3A_20 : i32
    %sign3A_22 = arith.extui %sign3A_21 : i1 to i32
    %sign3A_23 = arith.subi %sign3A_19, %sign3A_22 : i32
    %ne3A_24 = arith.cmpi ne, %sign3A_16, %sign3A_23 : i32
    %rem3A_25 = arith.remsi %add3A, %jit3A_10 : i32
    %ne3A_26 = arith.constant 0 : i32
    %ne3A_27 = arith.cmpi ne, %rem3A_25, %ne3A_26 : i32
    %and3A_28 = arith.andi %ne3A_24, %ne3A_27 : i1
    %sub3A = arith.constant 1 : i32
    %sub3A_29 = arith.subi %div3A, %sub3A : i32
    %select_n3A_30 = arith.select %and3A_28, %sub3A_29, %div3A : i32
    %mul3A_31 = arith.constant 27 : i32
    %mul3A_32 = arith.muli %select_n3A_30, %mul3A_31 : i32
    %sub3A_33 = arith.constant 106 : i32
    %sub3A_34 = arith.subi %sub3A_33, %mul3A_32 : i32
    %min3A = arith.constant 27 : i32
    %min3A_35 = arith.minsi %min3A, %sub3A_34 : i32
    %max3A = arith.constant 0 : i32
    %max3A_36 = arith.maxsi %max3A, %min3A_35 : i32
    %broadcast_in_dim3A = arith.constant 0 : i32
    %broadcast_in_dim3A_37 = vector.broadcast %broadcast_in_dim3A : i32 to vector<16xi32>
    %mul3A_38 = arith.constant 16384 : i32
    %mul3A_39 = arith.muli %select_n3A_9, %mul3A_38 : i32
    "tpu.region"() ({
      %run_scoped3A = tpu.sem_alloc : memref<!tpu.dma_semaphore, #tpu.memory_space<semaphore_mem>>
      %dma_start3A_64 = tpu.memref_slice %arg3[%mul3A_39] : memref<131072xi32, #tpu.memory_space<hbm>> -> memref<16384xi32, #tpu.memory_space<hbm>>
      %dma_start3A_65 = tpu.memref_slice %arg3[%mul3A_39] : memref<131072xi32, #tpu.memory_space<hbm>> -> memref<16384xi32, #tpu.memory_space<hbm>>
      tpu.enqueue_dma source(%dma_start3A_65 : memref<16384xi32, #tpu.memory_space<hbm>>) target(%arg6 : memref<16384xi32, #tpu.memory_space<vmem>>) target_semaphore(%run_scoped3A : memref<!tpu.dma_semaphore, #tpu.memory_space<semaphore_mem>>)
      %dma_wait3A_66 = tpu.memref_slice %arg3[%mul3A_39] : memref<131072xi32, #tpu.memory_space<hbm>> -> memref<16384xi32, #tpu.memory_space<hbm>>
      %dma_wait3A_67 = tpu.memref_slice %arg3[%mul3A_39] : memref<131072xi32, #tpu.memory_space<hbm>> -> memref<16384xi32, #tpu.memory_space<hbm>>
      tpu.wait_dma2 semaphore(%run_scoped3A : memref<!tpu.dma_semaphore, #tpu.memory_space<semaphore_mem>>) src(%dma_wait3A_67 : memref<16384xi32, #tpu.memory_space<hbm>>) dst(%arg6 : memref<16384xi32, #tpu.memory_space<vmem>>)
      tpu.yield
    }) : () -> ()
    %add3A_40 = arith.constant 0 : i32
    %add3A_41 = arith.addi %mul3A_32, %add3A_40 : i32
    %min3A_42 = arith.constant 105 : i32
    %min3A_43 = arith.minsi %add3A_41, %min3A_42 : i32
    %mul3A_44 = arith.constant 8 : i32
    %mul3A_45 = arith.muli %min3A_43, %mul3A_44 : i32
    %add3A_46 = arith.addi %mul3A_45, %select_n3A_9 : i32
    %dma_start3A = arith.constant 0 : i32
    %dma_start3A_47 = tpu.memref_slice %arg2[%add3A_46, %dma_start3A] : memref<848x100000xf32, #tpu.memory_space<hbm>> -> memref<1x100000xf32, #tpu.memory_space<hbm>>
    %dma_start3A_48 = arith.constant 0 : i32
    %dma_start3A_49 = tpu.memref_slice %arg2[%add3A_46, %dma_start3A_48] : memref<848x100000xf32, #tpu.memory_space<hbm>> -> memref<1x100000xf32, #tpu.memory_space<hbm>>
    tpu.enqueue_dma source(%dma_start3A_49 : memref<1x100000xf32, #tpu.memory_space<hbm>>) target(%arg5 : memref<1x100000xf32, #tpu.memory_space<vmem>>) target_semaphore(%arg10 : memref<!tpu.dma_semaphore, #tpu.memory_space<semaphore_mem>>)
    %while3A = arith.constant 0 : i32
    %while3A_50 = arith.constant 0 : i32
    %while3A_51 = arith.subi %max3A_36, %while3A_50 : i32
    %while3A_52 = arith.addi %while3A_50, %while3A_51 : i32
    %while3A_53 = arith.constant 1 : i32
    %while3A_54 = arith.divsi %while3A_51, %while3A_53 : i32
    %while3A_55 = arith.muli %while3A_54, %while3A_53 : i32
    %while3A_56 = arith.addi %while3A_50, %while3A_55 : i32
    %while3A_57 = arith.constant 1 : i32
    scf.for %while3A_64 = %while3A_50 to %while3A_56 step %while3A_57  : i32 {
      %add3A_65 = arith.addi %mul3A_32, %while3A_64 : i32
      %mul3A_66 = arith.constant 8 : i32
      %mul3A_67 = arith.muli %add3A_65, %mul3A_66 : i32
      %add3A_68 = arith.addi %mul3A_67, %select_n3A_9 : i32
      %dma_wait3A_69 = arith.constant 0 : i32
      %dma_wait3A_70 = arith.constant 0 : i32
      %dma_wait3A_71 = tpu.memref_slice %arg2[%dma_wait3A_69, %dma_wait3A_70] : memref<848x100000xf32, #tpu.memory_space<hbm>> -> memref<1x100000xf32, #tpu.memory_space<hbm>>
      %dma_wait3A_72 = arith.constant 0 : i32
      %dma_wait3A_73 = arith.constant 0 : i32
      %dma_wait3A_74 = tpu.memref_slice %arg2[%dma_wait3A_72, %dma_wait3A_73] : memref<848x100000xf32, #tpu.memory_space<hbm>> -> memref<1x100000xf32, #tpu.memory_space<hbm>>
      tpu.wait_dma2 semaphore(%arg10 : memref<!tpu.dma_semaphore, #tpu.memory_space<semaphore_mem>>) src(%dma_wait3A_74 : memref<1x100000xf32, #tpu.memory_space<hbm>>) dst(%arg5 : memref<1x100000xf32, #tpu.memory_space<vmem>>)
      %scan3A = arith.constant 0 : i32
      %scan3A_75 = arith.constant 0 : i32
      %scan3A_76 = arith.constant 32 : i32
      %scan3A_77 = arith.addi %scan3A_75, %scan3A_76 : i32
      %scan3A_78 = arith.constant 1 : i32
      scf.for %scan3A_206 = %scan3A_75 to %scan3A_77 step %scan3A_78  : i32 {
        %mul3A_207 = arith.constant 128 : i32
        %mul3A_208 = arith.muli %scan3A_206, %mul3A_207 : i32
        %add3A_209 = arith.constant 0 : i32
        %add3A_210 = arith.addi %add3A_209, %mul3A_208 : i32
        %add3A_211 = arith.constant 0 : i32
        %add3A_212 = arith.addi %add3A_210, %add3A_211 : i32
        %get3A = arith.index_cast %add3A_212 : i32 to index
        %get3A_213 = tpu.vector_load %arg6[%get3A] {strides = array<i32>} : memref<16384xi32, #tpu.memory_space<vmem>>, vector<16xi32>,
        %gather3A = tpu.vector_load_idx %arg5[%broadcast_in_dim3A_37, %get3A_213] : memref<1x100000xf32, #tpu.memory_space<vmem>>[vector<16xi32>, vector<16xi32>], vector<16xf32>,
        %add3A_214 = arith.constant 0 : i32
        %add3A_215 = arith.addi %mul3A_208, %add3A_214 : i32
        %swap3A = arith.constant 0 : i32
        %swap3A_216 = arith.index_cast %swap3A : i32 to index
        %swap3A_217 = arith.index_cast %add3A_215 : i32 to index
        %swap3A_218 = tpu.vector_load %arg7[%swap3A_216, %swap3A_217] {strides = array<i32>} : memref<2x4096xf32, #tpu.memory_space<vmem>>, vector<16xf32>,
        tpu.vector_store %arg7[%swap3A_216, %swap3A_217], %gather3A {strides = array<i32>} : memref<2x4096xf32, #tpu.memory_space<vmem>>, vector<16xf32>,
        %add3A_219 = arith.constant 0 : i32
        %add3A_220 = arith.addi %add3A_219, %mul3A_208 : i32
        %add3A_221 = arith.constant 16 : i32
        %add3A_222 = arith.addi %add3A_220, %add3A_221 : i32
        %get3A_223 = arith.index_cast %add3A_222 : i32 to index
        %get3A_224 = tpu.vector_load %arg6[%get3A_223] {strides = array<i32>} : memref<16384xi32, #tpu.memory_space<vmem>>, vector<16xi32>,
        %gather3A_225 = tpu.vector_load_idx %arg5[%broadcast_in_dim3A_37, %get3A_224] : memref<1x100000xf32, #tpu.memory_space<vmem>>[vector<16xi32>, vector<16xi32>], vector<16xf32>,
        %add3A_226 = arith.constant 16 : i32
        %add3A_227 = arith.addi %mul3A_208, %add3A_226 : i32
        %swap3A_228 = arith.constant 0 : i32
        %swap3A_229 = arith.index_cast %swap3A_228 : i32 to index
        %swap3A_230 = arith.index_cast %add3A_227 : i32 to index
        %swap3A_231 = tpu.vector_load %arg7[%swap3A_229, %swap3A_230] {strides = array<i32>} : memref<2x4096xf32, #tpu.memory_space<vmem>>, vector<16xf32>,
        tpu.vector_store %arg7[%swap3A_229, %swap3A_230], %gather3A_225 {strides = array<i32>} : memref<2x4096xf32, #tpu.memory_space<vmem>>, vector<16xf32>,
        %add3A_232 = arith.constant 0 : i32
        %add3A_233 = arith.addi %add3A_232, %mul3A_208 : i32
        %add3A_234 = arith.constant 32 : i32
        %add3A_235 = arith.addi %add3A_233, %add3A_234 : i32
        %get3A_236 = arith.index_cast %add3A_235 : i32 to index
        %get3A_237 = tpu.vector_load %arg6[%get3A_236] {strides = array<i32>} : memref<16384xi32, #tpu.memory_space<vmem>>, vector<16xi32>,
        %gather3A_238 = tpu.vector_load_idx %arg5[%broadcast_in_dim3A_37, %get3A_237] : memref<1x100000xf32, #tpu.memory_space<vmem>>[vector<16xi32>, vector<16xi32>], vector<16xf32>,
        %add3A_239 = arith.constant 32 : i32
        %add3A_240 = arith.addi %mul3A_208, %add3A_239 : i32
        %swap3A_241 = arith.constant 0 : i32
        %swap3A_242 = arith.index_cast %swap3A_241 : i32 to index
        %swap3A_243 = arith.index_cast %add3A_240 : i32 to index
        %swap3A_244 = tpu.vector_load %arg7[%swap3A_242, %swap3A_243] {strides = array<i32>} : memref<2x4096xf32, #tpu.memory_space<vmem>>, vector<16xf32>,
        tpu.vector_store %arg7[%swap3A_242, %swap3A_243], %gather3A_238 {strides = array<i32>} : memref<2x4096xf32, #tpu.memory_space<vmem>>, vector<16xf32>,
        %add3A_245 = arith.constant 0 : i32
        %add3A_246 = arith.addi %add3A_245, %mul3A_208 : i32
        %add3A_247 = arith.constant 48 : i32
        %add3A_248 = arith.addi %add3A_246, %add3A_247 : i32
        %get3A_249 = arith.index_cast %add3A_248 : i32 to index
        %get3A_250 = tpu.vector_load %arg6[%get3A_249] {strides = array<i32>} : memref<16384xi32, #tpu.memory_space<vmem>>, vector<16xi32>,
        %gather3A_251 = tpu.vector_load_idx %arg5[%broadcast_in_dim3A_37, %get3A_250] : memref<1x100000xf32, #tpu.memory_space<vmem>>[vector<16xi32>, vector<16xi32>], vector<16xf32>,
        %add3A_252 = arith.constant 48 : i32
        %add3A_253 = arith.addi %mul3A_208, %add3A_252 : i32
        %swap3A_254 = arith.constant 0 : i32
        %swap3A_255 = arith.index_cast %swap3A_254 : i32 to index
        %swap3A_256 = arith.index_cast %add3A_253 : i32 to index
        %swap3A_257 = tpu.vector_load %arg7[%swap3A_255, %swap3A_256] {strides = array<i32>} : memref<2x4096xf32, #tpu.memory_space<vmem>>, vector<16xf32>,
        tpu.vector_store %arg7[%swap3A_255, %swap3A_256], %gather3A_251 {strides = array<i32>} : memref<2x4096xf32, #tpu.memory_space<vmem>>, vector<16xf32>,
        %add3A_258 = arith.constant 0 : i32
        %add3A_259 = arith.addi %add3A_258, %mul3A_208 : i32
        %add3A_260 = arith.constant 64 : i32
        %add3A_261 = arith.addi %add3A_259, %add3A_260 : i32
        %get3A_262 = arith.index_cast %add3A_261 : i32 to index
        %get3A_263 = tpu.vector_load %arg6[%get3A_262] {strides = array<i32>} : memref<16384xi32, #tpu.memory_space<vmem>>, vector<16xi32>,
        %gather3A_264 = tpu.vector_load_idx %arg5[%broadcast_in_dim3A_37, %get3A_263] : memref<1x100000xf32, #tpu.memory_space<vmem>>[vector<16xi32>, vector<16xi32>], vector<16xf32>,
        %add3A_265 = arith.constant 64 : i32
        %add3A_266 = arith.addi %mul3A_208, %add3A_265 : i32
        %swap3A_267 = arith.constant 0 : i32
        %swap3A_268 = arith.index_cast %swap3A_267 : i32 to index
        %swap3A_269 = arith.index_cast %add3A_266 : i32 to index
        %swap3A_270 = tpu.vector_load %arg7[%swap3A_268, %swap3A_269] {strides = array<i32>} : memref<2x4096xf32, #tpu.memory_space<vmem>>, vector<16xf32>,
        tpu.vector_store %arg7[%swap3A_268, %swap3A_269], %gather3A_264 {strides = array<i32>} : memref<2x4096xf32, #tpu.memory_space<vmem>>, vector<16xf32>,
        %add3A_271 = arith.constant 0 : i32
        %add3A_272 = arith.addi %add3A_271, %mul3A_208 : i32
        %add3A_273 = arith.constant 80 : i32
        %add3A_274 = arith.addi %add3A_272, %add3A_273 : i32
        %get3A_275 = arith.index_cast %add3A_274 : i32 to index
        %get3A_276 = tpu.vector_load %arg6[%get3A_275] {strides = array<i32>} : memref<16384xi32, #tpu.memory_space<vmem>>, vector<16xi32>,
        %gather3A_277 = tpu.vector_load_idx %arg5[%broadcast_in_dim3A_37, %get3A_276] : memref<1x100000xf32, #tpu.memory_space<vmem>>[vector<16xi32>, vector<16xi32>], vector<16xf32>,
        %add3A_278 = arith.constant 80 : i32
        %add3A_279 = arith.addi %mul3A_208, %add3A_278 : i32
        %swap3A_280 = arith.constant 0 : i32
        %swap3A_281 = arith.index_cast %swap3A_280 : i32 to index
        %swap3A_282 = arith.index_cast %add3A_279 : i32 to index
        %swap3A_283 = tpu.vector_load %arg7[%swap3A_281, %swap3A_282] {strides = array<i32>} : memref<2x4096xf32, #tpu.memory_space<vmem>>, vector<16xf32>,
        tpu.vector_store %arg7[%swap3A_281, %swap3A_282], %gather3A_277 {strides = array<i32>} : memref<2x4096xf32, #tpu.memory_space<vmem>>, vector<16xf32>,
        %add3A_284 = arith.constant 0 : i32
        %add3A_285 = arith.addi %add3A_284, %mul3A_208 : i32
        %add3A_286 = arith.constant 96 : i32
        %add3A_287 = arith.addi %add3A_285, %add3A_286 : i32
        %get3A_288 = arith.index_cast %add3A_287 : i32 to index
        %get3A_289 = tpu.vector_load %arg6[%get3A_288] {strides = array<i32>} : memref<16384xi32, #tpu.memory_space<vmem>>, vector<16xi32>,
        %gather3A_290 = tpu.vector_load_idx %arg5[%broadcast_in_dim3A_37, %get3A_289] : memref<1x100000xf32, #tpu.memory_space<vmem>>[vector<16xi32>, vector<16xi32>], vector<16xf32>,
        %add3A_291 = arith.constant 96 : i32
        %add3A_292 = arith.addi %mul3A_208, %add3A_291 : i32
        %swap3A_293 = arith.constant 0 : i32
        %swap3A_294 = arith.index_cast %swap3A_293 : i32 to index
        %swap3A_295 = arith.index_cast %add3A_292 : i32 to index
        %swap3A_296 = tpu.vector_load %arg7[%swap3A_294, %swap3A_295] {strides = array<i32>} : memref<2x4096xf32, #tpu.memory_space<vmem>>, vector<16xf32>,
        tpu.vector_store %arg7[%swap3A_294, %swap3A_295], %gather3A_290 {strides = array<i32>} : memref<2x4096xf32, #tpu.memory_space<vmem>>, vector<16xf32>,
        %add3A_297 = arith.constant 0 : i32
        %add3A_298 = arith.addi %add3A_297, %mul3A_208 : i32
        %add3A_299 = arith.constant 112 : i32
        %add3A_300 = arith.addi %add3A_298, %add3A_299 : i32
        %get3A_301 = arith.index_cast %add3A_300 : i32 to index
        %get3A_302 = tpu.vector_load %arg6[%get3A_301] {strides = array<i32>} : memref<16384xi32, #tpu.memory_space<vmem>>, vector<16xi32>,
        %gather3A_303 = tpu.vector_load_idx %arg5[%broadcast_in_dim3A_37, %get3A_302] : memref<1x100000xf32, #tpu.memory_space<vmem>>[vector<16xi32>, vector<16xi32>], vector<16xf32>,
        %add3A_304 = arith.constant 112 : i32
        %add3A_305 = arith.addi %mul3A_208, %add3A_304 : i32
        %swap3A_306 = arith.constant 0 : i32
        %swap3A_307 = arith.index_cast %swap3A_306 : i32 to index
        %swap3A_308 = arith.index_cast %add3A_305 : i32 to index
        %swap3A_309 = tpu.vector_load %arg7[%swap3A_307, %swap3A_308] {strides = array<i32>} : memref<2x4096xf32, #tpu.memory_space<vmem>>, vector<16xf32>,
        tpu.vector_store %arg7[%swap3A_307, %swap3A_308], %gather3A_303 {strides = array<i32>} : memref<2x4096xf32, #tpu.memory_space<vmem>>, vector<16xf32>,
      }
      %scan3A_79 = arith.constant 32 : i32
      %mul3A_80 = arith.constant 16384 : i32
      %mul3A_81 = arith.muli %add3A_68, %mul3A_80 : i32
      %add3A_82 = arith.constant 0 : i32
      %add3A_83 = arith.addi %mul3A_81, %add3A_82 : i32
      %dma_start3A_84 = arith.constant 0 : i32
      %dma_start3A_85 = arith.constant 0 : i32
      %dma_start3A_86 = tpu.memref_slice %arg7[%dma_start3A_84, %dma_start3A_85] : memref<2x4096xf32, #tpu.memory_space<vmem>> -> memref<1x4096xf32, #tpu.memory_space<vmem>>
      %dma_start3A_87 = tpu.memref_squeeze %dma_start3A_86 : memref<1x4096xf32, #tpu.memory_space<vmem>> -> memref<4096xf32, #tpu.memory_space<vmem>>
      %dma_start3A_88 = tpu.memref_slice %arg4[%add3A_83] : memref<13893632xf32, #tpu.memory_space<hbm>> -> memref<4096xf32, #tpu.memory_space<hbm>>
      %dma_start3A_89 = tpu.memref_slice %arg4[%add3A_83] : memref<13893632xf32, #tpu.memory_space<hbm>> -> memref<4096xf32, #tpu.memory_space<hbm>>
      %dma_start3A_90 = arith.constant 0 : i32
      %dma_start3A_91 = tpu.memref_slice %arg7[%dma_start3A_84, %dma_start3A_90] : memref<2x4096xf32, #tpu.memory_space<vmem>> -> memref<1x4096xf32, #tpu.memory_space<vmem>>
      %dma_start3A_92 = tpu.memref_squeeze %dma_start3A_91 : memref<1x4096xf32, #tpu.memory_space<vmem>> -> memref<4096xf32, #tpu.memory_space<vmem>>
      tpu.enqueue_dma source(%dma_start3A_92 : memref<4096xf32, #tpu.memory_space<vmem>>) target(%dma_start3A_89 : memref<4096xf32, #tpu.memory_space<hbm>>) target_semaphore(%arg8 : memref<!tpu.dma_semaphore, #tpu.memory_space<semaphore_mem>>)
      %scan3A_93 = arith.constant 0 : i32
      %scan3A_94 = arith.constant 0 : i32
      %scan3A_95 = arith.constant 32 : i32
      %scan3A_96 = arith.addi %scan3A_94, %scan3A_95 : i32
      %scan3A_97 = arith.constant 1 : i32
      scf.for %scan3A_206 = %scan3A_94 to %scan3A_96 step %scan3A_97  : i32 {
        %mul3A_207 = arith.constant 128 : i32
        %mul3A_208 = arith.muli %scan3A_206, %mul3A_207 : i32
        %add3A_209 = arith.constant 4096 : i32
        %add3A_210 = arith.addi %add3A_209, %mul3A_208 : i32
        %add3A_211 = arith.constant 0 : i32
        %add3A_212 = arith.addi %add3A_210, %add3A_211 : i32
        %get3A = arith.index_cast %add3A_212 : i32 to index
        %get3A_213 = tpu.vector_load %arg6[%get3A] {strides = array<i32>} : memref<16384xi32, #tpu.memory_space<vmem>>, vector<16xi32>,
        %gather3A = tpu.vector_load_idx %arg5[%broadcast_in_dim3A_37, %get3A_213] : memref<1x100000xf32, #tpu.memory_space<vmem>>[vector<16xi32>, vector<16xi32>], vector<16xf32>,
        %add3A_214 = arith.constant 0 : i32
        %add3A_215 = arith.addi %mul3A_208, %add3A_214 : i32
        %swap3A = arith.constant 1 : i32
        %swap3A_216 = arith.index_cast %swap3A : i32 to index
        %swap3A_217 = arith.index_cast %add3A_215 : i32 to index
        %swap3A_218 = tpu.vector_load %arg7[%swap3A_216, %swap3A_217] {strides = array<i32>} : memref<2x4096xf32, #tpu.memory_space<vmem>>, vector<16xf32>,
        tpu.vector_store %arg7[%swap3A_216, %swap3A_217], %gather3A {strides = array<i32>} : memref<2x4096xf32, #tpu.memory_space<vmem>>, vector<16xf32>,
        %add3A_219 = arith.constant 4096 : i32
        %add3A_220 = arith.addi %add3A_219, %mul3A_208 : i32
        %add3A_221 = arith.constant 16 : i32
        %add3A_222 = arith.addi %add3A_220, %add3A_221 : i32
        %get3A_223 = arith.index_cast %add3A_222 : i32 to index
        %get3A_224 = tpu.vector_load %arg6[%get3A_223] {strides = array<i32>} : memref<16384xi32, #tpu.memory_space<vmem>>, vector<16xi32>,
        %gather3A_225 = tpu.vector_load_idx %arg5[%broadcast_in_dim3A_37, %get3A_224] : memref<1x100000xf32, #tpu.memory_space<vmem>>[vector<16xi32>, vector<16xi32>], vector<16xf32>,
        %add3A_226 = arith.constant 16 : i32
        %add3A_227 = arith.addi %mul3A_208, %add3A_226 : i32
        %swap3A_228 = arith.constant 1 : i32
        %swap3A_229 = arith.index_cast %swap3A_228 : i32 to index
        %swap3A_230 = arith.index_cast %add3A_227 : i32 to index
        %swap3A_231 = tpu.vector_load %arg7[%swap3A_229, %swap3A_230] {strides = array<i32>} : memref<2x4096xf32, #tpu.memory_space<vmem>>, vector<16xf32>,
        tpu.vector_store %arg7[%swap3A_229, %swap3A_230], %gather3A_225 {strides = array<i32>} : memref<2x4096xf32, #tpu.memory_space<vmem>>, vector<16xf32>,
        %add3A_232 = arith.constant 4096 : i32
        %add3A_233 = arith.addi %add3A_232, %mul3A_208 : i32
        %add3A_234 = arith.constant 32 : i32
        %add3A_235 = arith.addi %add3A_233, %add3A_234 : i32
        %get3A_236 = arith.index_cast %add3A_235 : i32 to index
        %get3A_237 = tpu.vector_load %arg6[%get3A_236] {strides = array<i32>} : memref<16384xi32, #tpu.memory_space<vmem>>, vector<16xi32>,
        %gather3A_238 = tpu.vector_load_idx %arg5[%broadcast_in_dim3A_37, %get3A_237] : memref<1x100000xf32, #tpu.memory_space<vmem>>[vector<16xi32>, vector<16xi32>], vector<16xf32>,
        %add3A_239 = arith.constant 32 : i32
        %add3A_240 = arith.addi %mul3A_208, %add3A_239 : i32
        %swap3A_241 = arith.constant 1 : i32
        %swap3A_242 = arith.index_cast %swap3A_241 : i32 to index
        %swap3A_243 = arith.index_cast %add3A_240 : i32 to index
        %swap3A_244 = tpu.vector_load %arg7[%swap3A_242, %swap3A_243] {strides = array<i32>} : memref<2x4096xf32, #tpu.memory_space<vmem>>, vector<16xf32>,
        tpu.vector_store %arg7[%swap3A_242, %swap3A_243], %gather3A_238 {strides = array<i32>} : memref<2x4096xf32, #tpu.memory_space<vmem>>, vector<16xf32>,
        %add3A_245 = arith.constant 4096 : i32
        %add3A_246 = arith.addi %add3A_245, %mul3A_208 : i32
        %add3A_247 = arith.constant 48 : i32
        %add3A_248 = arith.addi %add3A_246, %add3A_247 : i32
        %get3A_249 = arith.index_cast %add3A_248 : i32 to index
        %get3A_250 = tpu.vector_load %arg6[%get3A_249] {strides = array<i32>} : memref<16384xi32, #tpu.memory_space<vmem>>, vector<16xi32>,
        %gather3A_251 = tpu.vector_load_idx %arg5[%broadcast_in_dim3A_37, %get3A_250] : memref<1x100000xf32, #tpu.memory_space<vmem>>[vector<16xi32>, vector<16xi32>], vector<16xf32>,
        %add3A_252 = arith.constant 48 : i32
        %add3A_253 = arith.addi %mul3A_208, %add3A_252 : i32
        %swap3A_254 = arith.constant 1 : i32
        %swap3A_255 = arith.index_cast %swap3A_254 : i32 to index
        %swap3A_256 = arith.index_cast %add3A_253 : i32 to index
        %swap3A_257 = tpu.vector_load %arg7[%swap3A_255, %swap3A_256] {strides = array<i32>} : memref<2x4096xf32, #tpu.memory_space<vmem>>, vector<16xf32>,
        tpu.vector_store %arg7[%swap3A_255, %swap3A_256], %gather3A_251 {strides = array<i32>} : memref<2x4096xf32, #tpu.memory_space<vmem>>, vector<16xf32>,
        %add3A_258 = arith.constant 4096 : i32
        %add3A_259 = arith.addi %add3A_258, %mul3A_208 : i32
        %add3A_260 = arith.constant 64 : i32
        %add3A_261 = arith.addi %add3A_259, %add3A_260 : i32
        %get3A_262 = arith.index_cast %add3A_261 : i32 to index
        %get3A_263 = tpu.vector_load %arg6[%get3A_262] {strides = array<i32>} : memref<16384xi32, #tpu.memory_space<vmem>>, vector<16xi32>,
        %gather3A_264 = tpu.vector_load_idx %arg5[%broadcast_in_dim3A_37, %get3A_263] : memref<1x100000xf32, #tpu.memory_space<vmem>>[vector<16xi32>, vector<16xi32>], vector<16xf32>,
        %add3A_265 = arith.constant 64 : i32
        %add3A_266 = arith.addi %mul3A_208, %add3A_265 : i32
        %swap3A_267 = arith.constant 1 : i32
        %swap3A_268 = arith.index_cast %swap3A_267 : i32 to index
        %swap3A_269 = arith.index_cast %add3A_266 : i32 to index
        %swap3A_270 = tpu.vector_load %arg7[%swap3A_268, %swap3A_269] {strides = array<i32>} : memref<2x4096xf32, #tpu.memory_space<vmem>>, vector<16xf32>,
        tpu.vector_store %arg7[%swap3A_268, %swap3A_269], %gather3A_264 {strides = array<i32>} : memref<2x4096xf32, #tpu.memory_space<vmem>>, vector<16xf32>,
        %add3A_271 = arith.constant 4096 : i32
        %add3A_272 = arith.addi %add3A_271, %mul3A_208 : i32
        %add3A_273 = arith.constant 80 : i32
        %add3A_274 = arith.addi %add3A_272, %add3A_273 : i32
        %get3A_275 = arith.index_cast %add3A_274 : i32 to index
        %get3A_276 = tpu.vector_load %arg6[%get3A_275] {strides = array<i32>} : memref<16384xi32, #tpu.memory_space<vmem>>, vector<16xi32>,
        %gather3A_277 = tpu.vector_load_idx %arg5[%broadcast_in_dim3A_37, %get3A_276] : memref<1x100000xf32, #tpu.memory_space<vmem>>[vector<16xi32>, vector<16xi32>], vector<16xf32>,
        %add3A_278 = arith.constant 80 : i32
        %add3A_279 = arith.addi %mul3A_208, %add3A_278 : i32
        %swap3A_280 = arith.constant 1 : i32
        %swap3A_281 = arith.index_cast %swap3A_280 : i32 to index
        %swap3A_282 = arith.index_cast %add3A_279 : i32 to index
        %swap3A_283 = tpu.vector_load %arg7[%swap3A_281, %swap3A_282] {strides = array<i32>} : memref<2x4096xf32, #tpu.memory_space<vmem>>, vector<16xf32>,
        tpu.vector_store %arg7[%swap3A_281, %swap3A_282], %gather3A_277 {strides = array<i32>} : memref<2x4096xf32, #tpu.memory_space<vmem>>, vector<16xf32>,
        %add3A_284 = arith.constant 4096 : i32
        %add3A_285 = arith.addi %add3A_284, %mul3A_208 : i32
        %add3A_286 = arith.constant 96 : i32
        %add3A_287 = arith.addi %add3A_285, %add3A_286 : i32
        %get3A_288 = arith.index_cast %add3A_287 : i32 to index
        %get3A_289 = tpu.vector_load %arg6[%get3A_288] {strides = array<i32>} : memref<16384xi32, #tpu.memory_space<vmem>>, vector<16xi32>,
        %gather3A_290 = tpu.vector_load_idx %arg5[%broadcast_in_dim3A_37, %get3A_289] : memref<1x100000xf32, #tpu.memory_space<vmem>>[vector<16xi32>, vector<16xi32>], vector<16xf32>,
        %add3A_291 = arith.constant 96 : i32
        %add3A_292 = arith.addi %mul3A_208, %add3A_291 : i32
        %swap3A_293 = arith.constant 1 : i32
        %swap3A_294 = arith.index_cast %swap3A_293 : i32 to index
        %swap3A_295 = arith.index_cast %add3A_292 : i32 to index
        %swap3A_296 = tpu.vector_load %arg7[%swap3A_294, %swap3A_295] {strides = array<i32>} : memref<2x4096xf32, #tpu.memory_space<vmem>>, vector<16xf32>,
        tpu.vector_store %arg7[%swap3A_294, %swap3A_295], %gather3A_290 {strides = array<i32>} : memref<2x4096xf32, #tpu.memory_space<vmem>>, vector<16xf32>,
        %add3A_297 = arith.constant 4096 : i32
        %add3A_298 = arith.addi %add3A_297, %mul3A_208 : i32
        %add3A_299 = arith.constant 112 : i32
        %add3A_300 = arith.addi %add3A_298, %add3A_299 : i32
        %get3A_301 = arith.index_cast %add3A_300 : i32 to index
        %get3A_302 = tpu.vector_load %arg6[%get3A_301] {strides = array<i32>} : memref<16384xi32, #tpu.memory_space<vmem>>, vector<16xi32>,
        %gather3A_303 = tpu.vector_load_idx %arg5[%broadcast_in_dim3A_37, %get3A_302] : memref<1x100000xf32, #tpu.memory_space<vmem>>[vector<16xi32>, vector<16xi32>], vector<16xf32>,
        %add3A_304 = arith.constant 112 : i32
        %add3A_305 = arith.addi %mul3A_208, %add3A_304 : i32
        %swap3A_306 = arith.constant 1 : i32
        %swap3A_307 = arith.index_cast %swap3A_306 : i32 to index
        %swap3A_308 = arith.index_cast %add3A_305 : i32 to index
        %swap3A_309 = tpu.vector_load %arg7[%swap3A_307, %swap3A_308] {strides = array<i32>} : memref<2x4096xf32, #tpu.memory_space<vmem>>, vector<16xf32>,
        tpu.vector_store %arg7[%swap3A_307, %swap3A_308], %gather3A_303 {strides = array<i32>} : memref<2x4096xf32, #tpu.memory_space<vmem>>, vector<16xf32>,
      }
      %scan3A_98 = arith.constant 32 : i32
      %mul3A_99 = arith.constant 16384 : i32
      %mul3A_100 = arith.muli %add3A_68, %mul3A_99 : i32
      %add3A_101 = arith.constant 4096 : i32
      %add3A_102 = arith.addi %mul3A_100, %add3A_101 : i32
      %dma_start3A_103 = arith.constant 1 : i32
      %dma_start3A_104 = arith.constant 0 : i32
      %dma_start3A_105 = tpu.memref_slice %arg7[%dma_start3A_103, %dma_start3A_104] : memref<2x4096xf32, #tpu.memory_space<vmem>> -> memref<1x4096xf32, #tpu.memory_space<vmem>>
      %dma_start3A_106 = tpu.memref_squeeze %dma_start3A_105 : memref<1x4096xf32, #tpu.memory_space<vmem>> -> memref<4096xf32, #tpu.memory_space<vmem>>
      %dma_start3A_107 = tpu.memref_slice %arg4[%add3A_102] : memref<13893632xf32, #tpu.memory_space<hbm>> -> memref<4096xf32, #tpu.memory_space<hbm>>
      %dma_start3A_108 = tpu.memref_slice %arg4[%add3A_102] : memref<13893632xf32, #tpu.memory_space<hbm>> -> memref<4096xf32, #tpu.memory_space<hbm>>
      %dma_start3A_109 = arith.constant 0 : i32
      %dma_start3A_110 = tpu.memref_slice %arg7[%dma_start3A_103, %dma_start3A_109] : memref<2x4096xf32, #tpu.memory_space<vmem>> -> memref<1x4096xf32, #tpu.memory_space<vmem>>
      %dma_start3A_111 = tpu.memref_squeeze %dma_start3A_110 : memref<1x4096xf32, #tpu.memory_space<vmem>> -> memref<4096xf32, #tpu.memory_space<vmem>>
      tpu.enqueue_dma source(%dma_start3A_111 : memref<4096xf32, #tpu.memory_space<vmem>>) target(%dma_start3A_108 : memref<4096xf32, #tpu.memory_space<hbm>>) target_semaphore(%arg9 : memref<!tpu.dma_semaphore, #tpu.memory_space<semaphore_mem>>)
      %dma_wait3A_112 = arith.constant 0 : i32
      %dma_wait3A_113 = arith.constant 0 : i32
      %dma_wait3A_114 = tpu.memref_slice %arg7[%dma_wait3A_112, %dma_wait3A_113] : memref<2x4096xf32, #tpu.memory_space<vmem>> -> memref<1x4096xf32, #tpu.memory_space<vmem>>
      %dma_wait3A_115 = tpu.memref_squeeze %dma_wait3A_114 : memref<1x4096xf32, #tpu.memory_space<vmem>> -> memref<4096xf32, #tpu.memory_space<vmem>>
      %dma_wait3A_116 = arith.constant 0 : i32
      %dma_wait3A_117 = tpu.memref_slice %arg4[%dma_wait3A_116] : memref<13893632xf32, #tpu.memory_space<hbm>> -> memref<4096xf32, #tpu.memory_space<hbm>>
      %dma_wait3A_118 = arith.constant 0 : i32
      %dma_wait3A_119 = tpu.memref_slice %arg4[%dma_wait3A_118] : memref<13893632xf32, #tpu.memory_space<hbm>> -> memref<4096xf32, #tpu.memory_space<hbm>>
      %dma_wait3A_120 = arith.constant 0 : i32
      %dma_wait3A_121 = tpu.memref_slice %arg7[%dma_wait3A_112, %dma_wait3A_120] : memref<2x4096xf32, #tpu.memory_space<vmem>> -> memref<1x4096xf32, #tpu.memory_space<vmem>>
      %dma_wait3A_122 = tpu.memref_squeeze %dma_wait3A_121 : memref<1x4096xf32, #tpu.memory_space<vmem>> -> memref<4096xf32, #tpu.memory_space<vmem>>
      tpu.wait_dma2 semaphore(%arg8 : memref<!tpu.dma_semaphore, #tpu.memory_space<semaphore_mem>>) src(%dma_wait3A_122 : memref<4096xf32, #tpu.memory_space<vmem>>) dst(%dma_wait3A_119 : memref<4096xf32, #tpu.memory_space<hbm>>)
      %scan3A_123 = arith.constant 0 : i32
      %scan3A_124 = arith.constant 0 : i32
      %scan3A_125 = arith.constant 32 : i32
      %scan3A_126 = arith.addi %scan3A_124, %scan3A_125 : i32
      %scan3A_127 = arith.constant 1 : i32
      scf.for %scan3A_206 = %scan3A_124 to %scan3A_126 step %scan3A_127  : i32 {
        %mul3A_207 = arith.constant 128 : i32
        %mul3A_208 = arith.muli %scan3A_206, %mul3A_207 : i32
        %add3A_209 = arith.constant 8192 : i32
        %add3A_210 = arith.addi %add3A_209, %mul3A_208 : i32
        %add3A_211 = arith.constant 0 : i32
        %add3A_212 = arith.addi %add3A_210, %add3A_211 : i32
        %get3A = arith.index_cast %add3A_212 : i32 to index
        %get3A_213 = tpu.vector_load %arg6[%get3A] {strides = array<i32>} : memref<16384xi32, #tpu.memory_space<vmem>>, vector<16xi32>,
        %gather3A = tpu.vector_load_idx %arg5[%broadcast_in_dim3A_37, %get3A_213] : memref<1x100000xf32, #tpu.memory_space<vmem>>[vector<16xi32>, vector<16xi32>], vector<16xf32>,
        %add3A_214 = arith.constant 0 : i32
        %add3A_215 = arith.addi %mul3A_208, %add3A_214 : i32
        %swap3A = arith.constant 0 : i32
        %swap3A_216 = arith.index_cast %swap3A : i32 to index
        %swap3A_217 = arith.index_cast %add3A_215 : i32 to index
        %swap3A_218 = tpu.vector_load %arg7[%swap3A_216, %swap3A_217] {strides = array<i32>} : memref<2x4096xf32, #tpu.memory_space<vmem>>, vector<16xf32>,
        tpu.vector_store %arg7[%swap3A_216, %swap3A_217], %gather3A {strides = array<i32>} : memref<2x4096xf32, #tpu.memory_space<vmem>>, vector<16xf32>,
        %add3A_219 = arith.constant 8192 : i32
        %add3A_220 = arith.addi %add3A_219, %mul3A_208 : i32
        %add3A_221 = arith.constant 16 : i32
        %add3A_222 = arith.addi %add3A_220, %add3A_221 : i32
        %get3A_223 = arith.index_cast %add3A_222 : i32 to index
        %get3A_224 = tpu.vector_load %arg6[%get3A_223] {strides = array<i32>} : memref<16384xi32, #tpu.memory_space<vmem>>, vector<16xi32>,
        %gather3A_225 = tpu.vector_load_idx %arg5[%broadcast_in_dim3A_37, %get3A_224] : memref<1x100000xf32, #tpu.memory_space<vmem>>[vector<16xi32>, vector<16xi32>], vector<16xf32>,
        %add3A_226 = arith.constant 16 : i32
        %add3A_227 = arith.addi %mul3A_208, %add3A_226 : i32
        %swap3A_228 = arith.constant 0 : i32
        %swap3A_229 = arith.index_cast %swap3A_228 : i32 to index
        %swap3A_230 = arith.index_cast %add3A_227 : i32 to index
        %swap3A_231 = tpu.vector_load %arg7[%swap3A_229, %swap3A_230] {strides = array<i32>} : memref<2x4096xf32, #tpu.memory_space<vmem>>, vector<16xf32>,
        tpu.vector_store %arg7[%swap3A_229, %swap3A_230], %gather3A_225 {strides = array<i32>} : memref<2x4096xf32, #tpu.memory_space<vmem>>, vector<16xf32>,
        %add3A_232 = arith.constant 8192 : i32
        %add3A_233 = arith.addi %add3A_232, %mul3A_208 : i32
        %add3A_234 = arith.constant 32 : i32
        %add3A_235 = arith.addi %add3A_233, %add3A_234 : i32
        %get3A_236 = arith.index_cast %add3A_235 : i32 to index
        %get3A_237 = tpu.vector_load %arg6[%get3A_236] {strides = array<i32>} : memref<16384xi32, #tpu.memory_space<vmem>>, vector<16xi32>,
        %gather3A_238 = tpu.vector_load_idx %arg5[%broadcast_in_dim3A_37, %get3A_237] : memref<1x100000xf32, #tpu.memory_space<vmem>>[vector<16xi32>, vector<16xi32>], vector<16xf32>,
        %add3A_239 = arith.constant 32 : i32
        %add3A_240 = arith.addi %mul3A_208, %add3A_239 : i32
        %swap3A_241 = arith.constant 0 : i32
        %swap3A_242 = arith.index_cast %swap3A_241 : i32 to index
        %swap3A_243 = arith.index_cast %add3A_240 : i32 to index
        %swap3A_244 = tpu.vector_load %arg7[%swap3A_242, %swap3A_243] {strides = array<i32>} : memref<2x4096xf32, #tpu.memory_space<vmem>>, vector<16xf32>,
        tpu.vector_store %arg7[%swap3A_242, %swap3A_243], %gather3A_238 {strides = array<i32>} : memref<2x4096xf32, #tpu.memory_space<vmem>>, vector<16xf32>,
        %add3A_245 = arith.constant 8192 : i32
        %add3A_246 = arith.addi %add3A_245, %mul3A_208 : i32
        %add3A_247 = arith.constant 48 : i32
        %add3A_248 = arith.addi %add3A_246, %add3A_247 : i32
        %get3A_249 = arith.index_cast %add3A_248 : i32 to index
        %get3A_250 = tpu.vector_load %arg6[%get3A_249] {strides = array<i32>} : memref<16384xi32, #tpu.memory_space<vmem>>, vector<16xi32>,
        %gather3A_251 = tpu.vector_load_idx %arg5[%broadcast_in_dim3A_37, %get3A_250] : memref<1x100000xf32, #tpu.memory_space<vmem>>[vector<16xi32>, vector<16xi32>], vector<16xf32>,
        %add3A_252 = arith.constant 48 : i32
        %add3A_253 = arith.addi %mul3A_208, %add3A_252 : i32
        %swap3A_254 = arith.constant 0 : i32
        %swap3A_255 = arith.index_cast %swap3A_254 : i32 to index
        %swap3A_256 = arith.index_cast %add3A_253 : i32 to index
        %swap3A_257 = tpu.vector_load %arg7[%swap3A_255, %swap3A_256] {strides = array<i32>} : memref<2x4096xf32, #tpu.memory_space<vmem>>, vector<16xf32>,
        tpu.vector_store %arg7[%swap3A_255, %swap3A_256], %gather3A_251 {strides = array<i32>} : memref<2x4096xf32, #tpu.memory_space<vmem>>, vector<16xf32>,
        %add3A_258 = arith.constant 8192 : i32
        %add3A_259 = arith.addi %add3A_258, %mul3A_208 : i32
        %add3A_260 = arith.constant 64 : i32
        %add3A_261 = arith.addi %add3A_259, %add3A_260 : i32
        %get3A_262 = arith.index_cast %add3A_261 : i32 to index
        %get3A_263 = tpu.vector_load %arg6[%get3A_262] {strides = array<i32>} : memref<16384xi32, #tpu.memory_space<vmem>>, vector<16xi32>,
        %gather3A_264 = tpu.vector_load_idx %arg5[%broadcast_in_dim3A_37, %get3A_263] : memref<1x100000xf32, #tpu.memory_space<vmem>>[vector<16xi32>, vector<16xi32>], vector<16xf32>,
        %add3A_265 = arith.constant 64 : i32
        %add3A_266 = arith.addi %mul3A_208, %add3A_265 : i32
        %swap3A_267 = arith.constant 0 : i32
        %swap3A_268 = arith.index_cast %swap3A_267 : i32 to index
        %swap3A_269 = arith.index_cast %add3A_266 : i32 to index
        %swap3A_270 = tpu.vector_load %arg7[%swap3A_268, %swap3A_269] {strides = array<i32>} : memref<2x4096xf32, #tpu.memory_space<vmem>>, vector<16xf32>,
        tpu.vector_store %arg7[%swap3A_268, %swap3A_269], %gather3A_264 {strides = array<i32>} : memref<2x4096xf32, #tpu.memory_space<vmem>>, vector<16xf32>,
        %add3A_271 = arith.constant 8192 : i32
        %add3A_272 = arith.addi %add3A_271, %mul3A_208 : i32
        %add3A_273 = arith.constant 80 : i32
        %add3A_274 = arith.addi %add3A_272, %add3A_273 : i32
        %get3A_275 = arith.index_cast %add3A_274 : i32 to index
        %get3A_276 = tpu.vector_load %arg6[%get3A_275] {strides = array<i32>} : memref<16384xi32, #tpu.memory_space<vmem>>, vector<16xi32>,
        %gather3A_277 = tpu.vector_load_idx %arg5[%broadcast_in_dim3A_37, %get3A_276] : memref<1x100000xf32, #tpu.memory_space<vmem>>[vector<16xi32>, vector<16xi32>], vector<16xf32>,
        %add3A_278 = arith.constant 80 : i32
        %add3A_279 = arith.addi %mul3A_208, %add3A_278 : i32
        %swap3A_280 = arith.constant 0 : i32
        %swap3A_281 = arith.index_cast %swap3A_280 : i32 to index
        %swap3A_282 = arith.index_cast %add3A_279 : i32 to index
        %swap3A_283 = tpu.vector_load %arg7[%swap3A_281, %swap3A_282] {strides = array<i32>} : memref<2x4096xf32, #tpu.memory_space<vmem>>, vector<16xf32>,
        tpu.vector_store %arg7[%swap3A_281, %swap3A_282], %gather3A_277 {strides = array<i32>} : memref<2x4096xf32, #tpu.memory_space<vmem>>, vector<16xf32>,
        %add3A_284 = arith.constant 8192 : i32
        %add3A_285 = arith.addi %add3A_284, %mul3A_208 : i32
        %add3A_286 = arith.constant 96 : i32
        %add3A_287 = arith.addi %add3A_285, %add3A_286 : i32
        %get3A_288 = arith.index_cast %add3A_287 : i32 to index
        %get3A_289 = tpu.vector_load %arg6[%get3A_288] {strides = array<i32>} : memref<16384xi32, #tpu.memory_space<vmem>>, vector<16xi32>,
        %gather3A_290 = tpu.vector_load_idx %arg5[%broadcast_in_dim3A_37, %get3A_289] : memref<1x100000xf32, #tpu.memory_space<vmem>>[vector<16xi32>, vector<16xi32>], vector<16xf32>,
        %add3A_291 = arith.constant 96 : i32
        %add3A_292 = arith.addi %mul3A_208, %add3A_291 : i32
        %swap3A_293 = arith.constant 0 : i32
        %swap3A_294 = arith.index_cast %swap3A_293 : i32 to index
        %swap3A_295 = arith.index_cast %add3A_292 : i32 to index
        %swap3A_296 = tpu.vector_load %arg7[%swap3A_294, %swap3A_295] {strides = array<i32>} : memref<2x4096xf32, #tpu.memory_space<vmem>>, vector<16xf32>,
        tpu.vector_store %arg7[%swap3A_294, %swap3A_295], %gather3A_290 {strides = array<i32>} : memref<2x4096xf32, #tpu.memory_space<vmem>>, vector<16xf32>,
        %add3A_297 = arith.constant 8192 : i32
        %add3A_298 = arith.addi %add3A_297, %mul3A_208 : i32
        %add3A_299 = arith.constant 112 : i32
        %add3A_300 = arith.addi %add3A_298, %add3A_299 : i32
        %get3A_301 = arith.index_cast %add3A_300 : i32 to index
        %get3A_302 = tpu.vector_load %arg6[%get3A_301] {strides = array<i32>} : memref<16384xi32, #tpu.memory_space<vmem>>, vector<16xi32>,
        %gather3A_303 = tpu.vector_load_idx %arg5[%broadcast_in_dim3A_37, %get3A_302] : memref<1x100000xf32, #tpu.memory_space<vmem>>[vector<16xi32>, vector<16xi32>], vector<16xf32>,
        %add3A_304 = arith.constant 112 : i32
        %add3A_305 = arith.addi %mul3A_208, %add3A_304 : i32
        %swap3A_306 = arith.constant 0 : i32
        %swap3A_307 = arith.index_cast %swap3A_306 : i32 to index
        %swap3A_308 = arith.index_cast %add3A_305 : i32 to index
        %swap3A_309 = tpu.vector_load %arg7[%swap3A_307, %swap3A_308] {strides = array<i32>} : memref<2x4096xf32, #tpu.memory_space<vmem>>, vector<16xf32>,
        tpu.vector_store %arg7[%swap3A_307, %swap3A_308], %gather3A_303 {strides = array<i32>} : memref<2x4096xf32, #tpu.memory_space<vmem>>, vector<16xf32>,
      }
      %scan3A_128 = arith.constant 32 : i32
      %mul3A_129 = arith.constant 16384 : i32
      %mul3A_130 = arith.muli %add3A_68, %mul3A_129 : i32
      %add3A_131 = arith.constant 8192 : i32
      %add3A_132 = arith.addi %mul3A_130, %add3A_131 : i32
      %dma_start3A_133 = arith.constant 0 : i32
      %dma_start3A_134 = arith.constant 0 : i32
      %dma_start3A_135 = tpu.memref_slice %arg7[%dma_start3A_133, %dma_start3A_134] : memref<2x4096xf32, #tpu.memory_space<vmem>> -> memref<1x4096xf32, #tpu.memory_space<vmem>>
      %dma_start3A_136 = tpu.memref_squeeze %dma_start3A_135 : memref<1x4096xf32, #tpu.memory_space<vmem>> -> memref<4096xf32, #tpu.memory_space<vmem>>
      %dma_start3A_137 = tpu.memref_slice %arg4[%add3A_132] : memref<13893632xf32, #tpu.memory_space<hbm>> -> memref<4096xf32, #tpu.memory_space<hbm>>
      %dma_start3A_138 = tpu.memref_slice %arg4[%add3A_132] : memref<13893632xf32, #tpu.memory_space<hbm>> -> memref<4096xf32, #tpu.memory_space<hbm>>
      %dma_start3A_139 = arith.constant 0 : i32
      %dma_start3A_140 = tpu.memref_slice %arg7[%dma_start3A_133, %dma_start3A_139] : memref<2x4096xf32, #tpu.memory_space<vmem>> -> memref<1x4096xf32, #tpu.memory_space<vmem>>
      %dma_start3A_141 = tpu.memref_squeeze %dma_start3A_140 : memref<1x4096xf32, #tpu.memory_space<vmem>> -> memref<4096xf32, #tpu.memory_space<vmem>>
      tpu.enqueue_dma source(%dma_start3A_141 : memref<4096xf32, #tpu.memory_space<vmem>>) target(%dma_start3A_138 : memref<4096xf32, #tpu.memory_space<hbm>>) target_semaphore(%arg8 : memref<!tpu.dma_semaphore, #tpu.memory_space<semaphore_mem>>)
      %dma_wait3A_142 = arith.constant 1 : i32
      %dma_wait3A_143 = arith.constant 0 : i32
      %dma_wait3A_144 = tpu.memref_slice %arg7[%dma_wait3A_142, %dma_wait3A_143] : memref<2x4096xf32, #tpu.memory_space<vmem>> -> memref<1x4096xf32, #tpu.memory_space<vmem>>
      %dma_wait3A_145 = tpu.memref_squeeze %dma_wait3A_144 : memref<1x4096xf32, #tpu.memory_space<vmem>> -> memref<4096xf32, #tpu.memory_space<vmem>>
      %dma_wait3A_146 = arith.constant 0 : i32
      %dma_wait3A_147 = tpu.memref_slice %arg4[%dma_wait3A_146] : memref<13893632xf32, #tpu.memory_space<hbm>> -> memref<4096xf32, #tpu.memory_space<hbm>>
      %dma_wait3A_148 = arith.constant 0 : i32
      %dma_wait3A_149 = tpu.memref_slice %arg4[%dma_wait3A_148] : memref<13893632xf32, #tpu.memory_space<hbm>> -> memref<4096xf32, #tpu.memory_space<hbm>>
      %dma_wait3A_150 = arith.constant 0 : i32
      %dma_wait3A_151 = tpu.memref_slice %arg7[%dma_wait3A_142, %dma_wait3A_150] : memref<2x4096xf32, #tpu.memory_space<vmem>> -> memref<1x4096xf32, #tpu.memory_space<vmem>>
      %dma_wait3A_152 = tpu.memref_squeeze %dma_wait3A_151 : memref<1x4096xf32, #tpu.memory_space<vmem>> -> memref<4096xf32, #tpu.memory_space<vmem>>
      tpu.wait_dma2 semaphore(%arg9 : memref<!tpu.dma_semaphore, #tpu.memory_space<semaphore_mem>>) src(%dma_wait3A_152 : memref<4096xf32, #tpu.memory_space<vmem>>) dst(%dma_wait3A_149 : memref<4096xf32, #tpu.memory_space<hbm>>)
      %scan3A_153 = arith.constant 0 : i32
      %scan3A_154 = arith.constant 0 : i32
      %scan3A_155 = arith.constant 32 : i32
      %scan3A_156 = arith.addi %scan3A_154, %scan3A_155 : i32
      %scan3A_157 = arith.constant 1 : i32
      scf.for %scan3A_206 = %scan3A_154 to %scan3A_156 step %scan3A_157  : i32 {
        %mul3A_207 = arith.constant 128 : i32
        %mul3A_208 = arith.muli %scan3A_206, %mul3A_207 : i32
        %add3A_209 = arith.constant 12288 : i32
        %add3A_210 = arith.addi %add3A_209, %mul3A_208 : i32
        %add3A_211 = arith.constant 0 : i32
        %add3A_212 = arith.addi %add3A_210, %add3A_211 : i32
        %get3A = arith.index_cast %add3A_212 : i32 to index
        %get3A_213 = tpu.vector_load %arg6[%get3A] {strides = array<i32>} : memref<16384xi32, #tpu.memory_space<vmem>>, vector<16xi32>,
        %gather3A = tpu.vector_load_idx %arg5[%broadcast_in_dim3A_37, %get3A_213] : memref<1x100000xf32, #tpu.memory_space<vmem>>[vector<16xi32>, vector<16xi32>], vector<16xf32>,
        %add3A_214 = arith.constant 0 : i32
        %add3A_215 = arith.addi %mul3A_208, %add3A_214 : i32
        %swap3A = arith.constant 1 : i32
        %swap3A_216 = arith.index_cast %swap3A : i32 to index
        %swap3A_217 = arith.index_cast %add3A_215 : i32 to index
        %swap3A_218 = tpu.vector_load %arg7[%swap3A_216, %swap3A_217] {strides = array<i32>} : memref<2x4096xf32, #tpu.memory_space<vmem>>, vector<16xf32>,
        tpu.vector_store %arg7[%swap3A_216, %swap3A_217], %gather3A {strides = array<i32>} : memref<2x4096xf32, #tpu.memory_space<vmem>>, vector<16xf32>,
        %add3A_219 = arith.constant 12288 : i32
        %add3A_220 = arith.addi %add3A_219, %mul3A_208 : i32
        %add3A_221 = arith.constant 16 : i32
        %add3A_222 = arith.addi %add3A_220, %add3A_221 : i32
        %get3A_223 = arith.index_cast %add3A_222 : i32 to index
        %get3A_224 = tpu.vector_load %arg6[%get3A_223] {strides = array<i32>} : memref<16384xi32, #tpu.memory_space<vmem>>, vector<16xi32>,
        %gather3A_225 = tpu.vector_load_idx %arg5[%broadcast_in_dim3A_37, %get3A_224] : memref<1x100000xf32, #tpu.memory_space<vmem>>[vector<16xi32>, vector<16xi32>], vector<16xf32>,
        %add3A_226 = arith.constant 16 : i32
        %add3A_227 = arith.addi %mul3A_208, %add3A_226 : i32
        %swap3A_228 = arith.constant 1 : i32
        %swap3A_229 = arith.index_cast %swap3A_228 : i32 to index
        %swap3A_230 = arith.index_cast %add3A_227 : i32 to index
        %swap3A_231 = tpu.vector_load %arg7[%swap3A_229, %swap3A_230] {strides = array<i32>} : memref<2x4096xf32, #tpu.memory_space<vmem>>, vector<16xf32>,
        tpu.vector_store %arg7[%swap3A_229, %swap3A_230], %gather3A_225 {strides = array<i32>} : memref<2x4096xf32, #tpu.memory_space<vmem>>, vector<16xf32>,
        %add3A_232 = arith.constant 12288 : i32
        %add3A_233 = arith.addi %add3A_232, %mul3A_208 : i32
        %add3A_234 = arith.constant 32 : i32
        %add3A_235 = arith.addi %add3A_233, %add3A_234 : i32
        %get3A_236 = arith.index_cast %add3A_235 : i32 to index
        %get3A_237 = tpu.vector_load %arg6[%get3A_236] {strides = array<i32>} : memref<16384xi32, #tpu.memory_space<vmem>>, vector<16xi32>,
        %gather3A_238 = tpu.vector_load_idx %arg5[%broadcast_in_dim3A_37, %get3A_237] : memref<1x100000xf32, #tpu.memory_space<vmem>>[vector<16xi32>, vector<16xi32>], vector<16xf32>,
        %add3A_239 = arith.constant 32 : i32
        %add3A_240 = arith.addi %mul3A_208, %add3A_239 : i32
        %swap3A_241 = arith.constant 1 : i32
        %swap3A_242 = arith.index_cast %swap3A_241 : i32 to index
        %swap3A_243 = arith.index_cast %add3A_240 : i32 to index
        %swap3A_244 = tpu.vector_load %arg7[%swap3A_242, %swap3A_243] {strides = array<i32>} : memref<2x4096xf32, #tpu.memory_space<vmem>>, vector<16xf32>,
        tpu.vector_store %arg7[%swap3A_242, %swap3A_243], %gather3A_238 {strides = array<i32>} : memref<2x4096xf32, #tpu.memory_space<vmem>>, vector<16xf32>,
        %add3A_245 = arith.constant 12288 : i32
        %add3A_246 = arith.addi %add3A_245, %mul3A_208 : i32
        %add3A_247 = arith.constant 48 : i32
        %add3A_248 = arith.addi %add3A_246, %add3A_247 : i32
        %get3A_249 = arith.index_cast %add3A_248 : i32 to index
        %get3A_250 = tpu.vector_load %arg6[%get3A_249] {strides = array<i32>} : memref<16384xi32, #tpu.memory_space<vmem>>, vector<16xi32>,
        %gather3A_251 = tpu.vector_load_idx %arg5[%broadcast_in_dim3A_37, %get3A_250] : memref<1x100000xf32, #tpu.memory_space<vmem>>[vector<16xi32>, vector<16xi32>], vector<16xf32>,
        %add3A_252 = arith.constant 48 : i32
        %add3A_253 = arith.addi %mul3A_208, %add3A_252 : i32
        %swap3A_254 = arith.constant 1 : i32
        %swap3A_255 = arith.index_cast %swap3A_254 : i32 to index
        %swap3A_256 = arith.index_cast %add3A_253 : i32 to index
        %swap3A_257 = tpu.vector_load %arg7[%swap3A_255, %swap3A_256] {strides = array<i32>} : memref<2x4096xf32, #tpu.memory_space<vmem>>, vector<16xf32>,
        tpu.vector_store %arg7[%swap3A_255, %swap3A_256], %gather3A_251 {strides = array<i32>} : memref<2x4096xf32, #tpu.memory_space<vmem>>, vector<16xf32>,
        %add3A_258 = arith.constant 12288 : i32
        %add3A_259 = arith.addi %add3A_258, %mul3A_208 : i32
        %add3A_260 = arith.constant 64 : i32
        %add3A_261 = arith.addi %add3A_259, %add3A_260 : i32
        %get3A_262 = arith.index_cast %add3A_261 : i32 to index
        %get3A_263 = tpu.vector_load %arg6[%get3A_262] {strides = array<i32>} : memref<16384xi32, #tpu.memory_space<vmem>>, vector<16xi32>,
        %gather3A_264 = tpu.vector_load_idx %arg5[%broadcast_in_dim3A_37, %get3A_263] : memref<1x100000xf32, #tpu.memory_space<vmem>>[vector<16xi32>, vector<16xi32>], vector<16xf32>,
        %add3A_265 = arith.constant 64 : i32
        %add3A_266 = arith.addi %mul3A_208, %add3A_265 : i32
        %swap3A_267 = arith.constant 1 : i32
        %swap3A_268 = arith.index_cast %swap3A_267 : i32 to index
        %swap3A_269 = arith.index_cast %add3A_266 : i32 to index
        %swap3A_270 = tpu.vector_load %arg7[%swap3A_268, %swap3A_269] {strides = array<i32>} : memref<2x4096xf32, #tpu.memory_space<vmem>>, vector<16xf32>,
        tpu.vector_store %arg7[%swap3A_268, %swap3A_269], %gather3A_264 {strides = array<i32>} : memref<2x4096xf32, #tpu.memory_space<vmem>>, vector<16xf32>,
        %add3A_271 = arith.constant 12288 : i32
        %add3A_272 = arith.addi %add3A_271, %mul3A_208 : i32
        %add3A_273 = arith.constant 80 : i32
        %add3A_274 = arith.addi %add3A_272, %add3A_273 : i32
        %get3A_275 = arith.index_cast %add3A_274 : i32 to index
        %get3A_276 = tpu.vector_load %arg6[%get3A_275] {strides = array<i32>} : memref<16384xi32, #tpu.memory_space<vmem>>, vector<16xi32>,
        %gather3A_277 = tpu.vector_load_idx %arg5[%broadcast_in_dim3A_37, %get3A_276] : memref<1x100000xf32, #tpu.memory_space<vmem>>[vector<16xi32>, vector<16xi32>], vector<16xf32>,
        %add3A_278 = arith.constant 80 : i32
        %add3A_279 = arith.addi %mul3A_208, %add3A_278 : i32
        %swap3A_280 = arith.constant 1 : i32
        %swap3A_281 = arith.index_cast %swap3A_280 : i32 to index
        %swap3A_282 = arith.index_cast %add3A_279 : i32 to index
        %swap3A_283 = tpu.vector_load %arg7[%swap3A_281, %swap3A_282] {strides = array<i32>} : memref<2x4096xf32, #tpu.memory_space<vmem>>, vector<16xf32>,
        tpu.vector_store %arg7[%swap3A_281, %swap3A_282], %gather3A_277 {strides = array<i32>} : memref<2x4096xf32, #tpu.memory_space<vmem>>, vector<16xf32>,
        %add3A_284 = arith.constant 12288 : i32
        %add3A_285 = arith.addi %add3A_284, %mul3A_208 : i32
        %add3A_286 = arith.constant 96 : i32
        %add3A_287 = arith.addi %add3A_285, %add3A_286 : i32
        %get3A_288 = arith.index_cast %add3A_287 : i32 to index
        %get3A_289 = tpu.vector_load %arg6[%get3A_288] {strides = array<i32>} : memref<16384xi32, #tpu.memory_space<vmem>>, vector<16xi32>,
        %gather3A_290 = tpu.vector_load_idx %arg5[%broadcast_in_dim3A_37, %get3A_289] : memref<1x100000xf32, #tpu.memory_space<vmem>>[vector<16xi32>, vector<16xi32>], vector<16xf32>,
        %add3A_291 = arith.constant 96 : i32
        %add3A_292 = arith.addi %mul3A_208, %add3A_291 : i32
        %swap3A_293 = arith.constant 1 : i32
        %swap3A_294 = arith.index_cast %swap3A_293 : i32 to index
        %swap3A_295 = arith.index_cast %add3A_292 : i32 to index
        %swap3A_296 = tpu.vector_load %arg7[%swap3A_294, %swap3A_295] {strides = array<i32>} : memref<2x4096xf32, #tpu.memory_space<vmem>>, vector<16xf32>,
        tpu.vector_store %arg7[%swap3A_294, %swap3A_295], %gather3A_290 {strides = array<i32>} : memref<2x4096xf32, #tpu.memory_space<vmem>>, vector<16xf32>,
        %add3A_297 = arith.constant 12288 : i32
        %add3A_298 = arith.addi %add3A_297, %mul3A_208 : i32
        %add3A_299 = arith.constant 112 : i32
        %add3A_300 = arith.addi %add3A_298, %add3A_299 : i32
        %get3A_301 = arith.index_cast %add3A_300 : i32 to index
        %get3A_302 = tpu.vector_load %arg6[%get3A_301] {strides = array<i32>} : memref<16384xi32, #tpu.memory_space<vmem>>, vector<16xi32>,
        %gather3A_303 = tpu.vector_load_idx %arg5[%broadcast_in_dim3A_37, %get3A_302] : memref<1x100000xf32, #tpu.memory_space<vmem>>[vector<16xi32>, vector<16xi32>], vector<16xf32>,
        %add3A_304 = arith.constant 112 : i32
        %add3A_305 = arith.addi %mul3A_208, %add3A_304 : i32
        %swap3A_306 = arith.constant 1 : i32
        %swap3A_307 = arith.index_cast %swap3A_306 : i32 to index
        %swap3A_308 = arith.index_cast %add3A_305 : i32 to index
        %swap3A_309 = tpu.vector_load %arg7[%swap3A_307, %swap3A_308] {strides = array<i32>} : memref<2x4096xf32, #tpu.memory_space<vmem>>, vector<16xf32>,
        tpu.vector_store %arg7[%swap3A_307, %swap3A_308], %gather3A_303 {strides = array<i32>} : memref<2x4096xf32, #tpu.memory_space<vmem>>, vector<16xf32>,
      }
      %scan3A_158 = arith.constant 32 : i32
      %add3A_159 = arith.constant 1 : i32
      %add3A_160 = arith.addi %while3A_64, %add3A_159 : i32
      %add3A_161 = arith.addi %mul3A_32, %add3A_160 : i32
      %min3A_162 = arith.constant 105 : i32
      %min3A_163 = arith.minsi %add3A_161, %min3A_162 : i32
      %mul3A_164 = arith.constant 8 : i32
      %mul3A_165 = arith.muli %min3A_163, %mul3A_164 : i32
      %add3A_166 = arith.addi %mul3A_165, %select_n3A_9 : i32
      %dma_start3A_167 = arith.constant 0 : i32
      %dma_start3A_168 = tpu.memref_slice %arg2[%add3A_166, %dma_start3A_167] : memref<848x100000xf32, #tpu.memory_space<hbm>> -> memref<1x100000xf32, #tpu.memory_space<hbm>>
      %dma_start3A_169 = arith.constant 0 : i32
      %dma_start3A_170 = tpu.memref_slice %arg2[%add3A_166, %dma_start3A_169] : memref<848x100000xf32, #tpu.memory_space<hbm>> -> memref<1x100000xf32, #tpu.memory_space<hbm>>
      tpu.enqueue_dma source(%dma_start3A_170 : memref<1x100000xf32, #tpu.memory_space<hbm>>) target(%arg5 : memref<1x100000xf32, #tpu.memory_space<vmem>>) target_semaphore(%arg10 : memref<!tpu.dma_semaphore, #tpu.memory_space<semaphore_mem>>)
      %mul3A_171 = arith.constant 16384 : i32
      %mul3A_172 = arith.muli %add3A_68, %mul3A_171 : i32
      %add3A_173 = arith.constant 12288 : i32
      %add3A_174 = arith.addi %mul3A_172, %add3A_173 : i32
      %dma_start3A_175 = arith.constant 1 : i32
      %dma_start3A_176 = arith.constant 0 : i32
      %dma_start3A_177 = tpu.memref_slice %arg7[%dma_start3A_175, %dma_start3A_176] : memref<2x4096xf32, #tpu.memory_space<vmem>> -> memref<1x4096xf32, #tpu.memory_space<vmem>>
      %dma_start3A_178 = tpu.memref_squeeze %dma_start3A_177 : memref<1x4096xf32, #tpu.memory_space<vmem>> -> memref<4096xf32, #tpu.memory_space<vmem>>
      %dma_start3A_179 = tpu.memref_slice %arg4[%add3A_174] : memref<13893632xf32, #tpu.memory_space<hbm>> -> memref<4096xf32, #tpu.memory_space<hbm>>
      %dma_start3A_180 = tpu.memref_slice %arg4[%add3A_174] : memref<13893632xf32, #tpu.memory_space<hbm>> -> memref<4096xf32, #tpu.memory_space<hbm>>
      %dma_start3A_181 = arith.constant 0 : i32
      %dma_start3A_182 = tpu.memref_slice %arg7[%dma_start3A_175, %dma_start3A_181] : memref<2x4096xf32, #tpu.memory_space<vmem>> -> memref<1x4096xf32, #tpu.memory_space<vmem>>
      %dma_start3A_183 = tpu.memref_squeeze %dma_start3A_182 : memref<1x4096xf32, #tpu.memory_space<vmem>> -> memref<4096xf32, #tpu.memory_space<vmem>>
      tpu.enqueue_dma source(%dma_start3A_183 : memref<4096xf32, #tpu.memory_space<vmem>>) target(%dma_start3A_180 : memref<4096xf32, #tpu.memory_space<hbm>>) target_semaphore(%arg9 : memref<!tpu.dma_semaphore, #tpu.memory_space<semaphore_mem>>)
      %dma_wait3A_184 = arith.constant 0 : i32
      %dma_wait3A_185 = arith.constant 0 : i32
      %dma_wait3A_186 = tpu.memref_slice %arg7[%dma_wait3A_184, %dma_wait3A_185] : memref<2x4096xf32, #tpu.memory_space<vmem>> -> memref<1x4096xf32, #tpu.memory_space<vmem>>
      %dma_wait3A_187 = tpu.memref_squeeze %dma_wait3A_186 : memref<1x4096xf32, #tpu.memory_space<vmem>> -> memref<4096xf32, #tpu.memory_space<vmem>>
      %dma_wait3A_188 = arith.constant 0 : i32
      %dma_wait3A_189 = tpu.memref_slice %arg4[%dma_wait3A_188] : memref<13893632xf32, #tpu.memory_space<hbm>> -> memref<4096xf32, #tpu.memory_space<hbm>>
      %dma_wait3A_190 = arith.constant 0 : i32
      %dma_wait3A_191 = tpu.memref_slice %arg4[%dma_wait3A_190] : memref<13893632xf32, #tpu.memory_space<hbm>> -> memref<4096xf32, #tpu.memory_space<hbm>>
      %dma_wait3A_192 = arith.constant 0 : i32
      %dma_wait3A_193 = tpu.memref_slice %arg7[%dma_wait3A_184, %dma_wait3A_192] : memref<2x4096xf32, #tpu.memory_space<vmem>> -> memref<1x4096xf32, #tpu.memory_space<vmem>>
      %dma_wait3A_194 = tpu.memref_squeeze %dma_wait3A_193 : memref<1x4096xf32, #tpu.memory_space<vmem>> -> memref<4096xf32, #tpu.memory_space<vmem>>
      tpu.wait_dma2 semaphore(%arg8 : memref<!tpu.dma_semaphore, #tpu.memory_space<semaphore_mem>>) src(%dma_wait3A_194 : memref<4096xf32, #tpu.memory_space<vmem>>) dst(%dma_wait3A_191 : memref<4096xf32, #tpu.memory_space<hbm>>)
      %dma_wait3A_195 = arith.constant 1 : i32
      %dma_wait3A_196 = arith.constant 0 : i32
      %dma_wait3A_197 = tpu.memref_slice %arg7[%dma_wait3A_195, %dma_wait3A_196] : memref<2x4096xf32, #tpu.memory_space<vmem>> -> memref<1x4096xf32, #tpu.memory_space<vmem>>
      %dma_wait3A_198 = tpu.memref_squeeze %dma_wait3A_197 : memref<1x4096xf32, #tpu.memory_space<vmem>> -> memref<4096xf32, #tpu.memory_space<vmem>>
      %dma_wait3A_199 = arith.constant 0 : i32
      %dma_wait3A_200 = tpu.memref_slice %arg4[%dma_wait3A_199] : memref<13893632xf32, #tpu.memory_space<hbm>> -> memref<4096xf32, #tpu.memory_space<hbm>>
      %dma_wait3A_201 = arith.constant 0 : i32
      %dma_wait3A_202 = tpu.memref_slice %arg4[%dma_wait3A_201] : memref<13893632xf32, #tpu.memory_space<hbm>> -> memref<4096xf32, #tpu.memory_space<hbm>>
      %dma_wait3A_203 = arith.constant 0 : i32
      %dma_wait3A_204 = tpu.memref_slice %arg7[%dma_wait3A_195, %dma_wait3A_203] : memref<2x4096xf32, #tpu.memory_space<vmem>> -> memref<1x4096xf32, #tpu.memory_space<vmem>>
      %dma_wait3A_205 = tpu.memref_squeeze %dma_wait3A_204 : memref<1x4096xf32, #tpu.memory_space<vmem>> -> memref<4096xf32, #tpu.memory_space<vmem>>
      tpu.wait_dma2 semaphore(%arg9 : memref<!tpu.dma_semaphore, #tpu.memory_space<semaphore_mem>>) src(%dma_wait3A_205 : memref<4096xf32, #tpu.memory_space<vmem>>) dst(%dma_wait3A_202 : memref<4096xf32, #tpu.memory_space<hbm>>)
    }
    %while3A_58 = arith.constant 1 : i32
    scf.for %while3A_64 = %while3A_56 to %while3A_52 step %while3A_58  : i32 {
      %add3A_65 = arith.addi %mul3A_32, %while3A_64 : i32
      %mul3A_66 = arith.constant 8 : i32
      %mul3A_67 = arith.muli %add3A_65, %mul3A_66 : i32
      %add3A_68 = arith.addi %mul3A_67, %select_n3A_9 : i32
      %dma_wait3A_69 = arith.constant 0 : i32
      %dma_wait3A_70 = arith.constant 0 : i32
      %dma_wait3A_71 = tpu.memref_slice %arg2[%dma_wait3A_69, %dma_wait3A_70] : memref<848x100000xf32, #tpu.memory_space<hbm>> -> memref<1x100000xf32, #tpu.memory_space<hbm>>
      %dma_wait3A_72 = arith.constant 0 : i32
      %dma_wait3A_73 = arith.constant 0 : i32
      %dma_wait3A_74 = tpu.memref_slice %arg2[%dma_wait3A_72, %dma_wait3A_73] : memref<848x100000xf32, #tpu.memory_space<hbm>> -> memref<1x100000xf32, #tpu.memory_space<hbm>>
      tpu.wait_dma2 semaphore(%arg10 : memref<!tpu.dma_semaphore, #tpu.memory_space<semaphore_mem>>) src(%dma_wait3A_74 : memref<1x100000xf32, #tpu.memory_space<hbm>>) dst(%arg5 : memref<1x100000xf32, #tpu.memory_space<vmem>>)
      %scan3A = arith.constant 0 : i32
      %scan3A_75 = arith.constant 0 : i32
      %scan3A_76 = arith.constant 32 : i32
      %scan3A_77 = arith.addi %scan3A_75, %scan3A_76 : i32
      %scan3A_78 = arith.constant 1 : i32
      scf.for %scan3A_206 = %scan3A_75 to %scan3A_77 step %scan3A_78  : i32 {
        %mul3A_207 = arith.constant 128 : i32
        %mul3A_208 = arith.muli %scan3A_206, %mul3A_207 : i32
        %add3A_209 = arith.constant 0 : i32
        %add3A_210 = arith.addi %add3A_209, %mul3A_208 : i32
        %add3A_211 = arith.constant 0 : i32
        %add3A_212 = arith.addi %add3A_210, %add3A_211 : i32
        %get3A = arith.index_cast %add3A_212 : i32 to index
        %get3A_213 = tpu.vector_load %arg6[%get3A] {strides = array<i32>} : memref<16384xi32, #tpu.memory_space<vmem>>, vector<16xi32>,
        %gather3A = tpu.vector_load_idx %arg5[%broadcast_in_dim3A_37, %get3A_213] : memref<1x100000xf32, #tpu.memory_space<vmem>>[vector<16xi32>, vector<16xi32>], vector<16xf32>,
        %add3A_214 = arith.constant 0 : i32
        %add3A_215 = arith.addi %mul3A_208, %add3A_214 : i32
        %swap3A = arith.constant 0 : i32
        %swap3A_216 = arith.index_cast %swap3A : i32 to index
        %swap3A_217 = arith.index_cast %add3A_215 : i32 to index
        %swap3A_218 = tpu.vector_load %arg7[%swap3A_216, %swap3A_217] {strides = array<i32>} : memref<2x4096xf32, #tpu.memory_space<vmem>>, vector<16xf32>,
        tpu.vector_store %arg7[%swap3A_216, %swap3A_217], %gather3A {strides = array<i32>} : memref<2x4096xf32, #tpu.memory_space<vmem>>, vector<16xf32>,
        %add3A_219 = arith.constant 0 : i32
        %add3A_220 = arith.addi %add3A_219, %mul3A_208 : i32
        %add3A_221 = arith.constant 16 : i32
        %add3A_222 = arith.addi %add3A_220, %add3A_221 : i32
        %get3A_223 = arith.index_cast %add3A_222 : i32 to index
        %get3A_224 = tpu.vector_load %arg6[%get3A_223] {strides = array<i32>} : memref<16384xi32, #tpu.memory_space<vmem>>, vector<16xi32>,
        %gather3A_225 = tpu.vector_load_idx %arg5[%broadcast_in_dim3A_37, %get3A_224] : memref<1x100000xf32, #tpu.memory_space<vmem>>[vector<16xi32>, vector<16xi32>], vector<16xf32>,
        %add3A_226 = arith.constant 16 : i32
        %add3A_227 = arith.addi %mul3A_208, %add3A_226 : i32
        %swap3A_228 = arith.constant 0 : i32
        %swap3A_229 = arith.index_cast %swap3A_228 : i32 to index
        %swap3A_230 = arith.index_cast %add3A_227 : i32 to index
        %swap3A_231 = tpu.vector_load %arg7[%swap3A_229, %swap3A_230] {strides = array<i32>} : memref<2x4096xf32, #tpu.memory_space<vmem>>, vector<16xf32>,
        tpu.vector_store %arg7[%swap3A_229, %swap3A_230], %gather3A_225 {strides = array<i32>} : memref<2x4096xf32, #tpu.memory_space<vmem>>, vector<16xf32>,
        %add3A_232 = arith.constant 0 : i32
        %add3A_233 = arith.addi %add3A_232, %mul3A_208 : i32
        %add3A_234 = arith.constant 32 : i32
        %add3A_235 = arith.addi %add3A_233, %add3A_234 : i32
        %get3A_236 = arith.index_cast %add3A_235 : i32 to index
        %get3A_237 = tpu.vector_load %arg6[%get3A_236] {strides = array<i32>} : memref<16384xi32, #tpu.memory_space<vmem>>, vector<16xi32>,
        %gather3A_238 = tpu.vector_load_idx %arg5[%broadcast_in_dim3A_37, %get3A_237] : memref<1x100000xf32, #tpu.memory_space<vmem>>[vector<16xi32>, vector<16xi32>], vector<16xf32>,
        %add3A_239 = arith.constant 32 : i32
        %add3A_240 = arith.addi %mul3A_208, %add3A_239 : i32
        %swap3A_241 = arith.constant 0 : i32
        %swap3A_242 = arith.index_cast %swap3A_241 : i32 to index
        %swap3A_243 = arith.index_cast %add3A_240 : i32 to index
        %swap3A_244 = tpu.vector_load %arg7[%swap3A_242, %swap3A_243] {strides = array<i32>} : memref<2x4096xf32, #tpu.memory_space<vmem>>, vector<16xf32>,
        tpu.vector_store %arg7[%swap3A_242, %swap3A_243], %gather3A_238 {strides = array<i32>} : memref<2x4096xf32, #tpu.memory_space<vmem>>, vector<16xf32>,
        %add3A_245 = arith.constant 0 : i32
        %add3A_246 = arith.addi %add3A_245, %mul3A_208 : i32
        %add3A_247 = arith.constant 48 : i32
        %add3A_248 = arith.addi %add3A_246, %add3A_247 : i32
        %get3A_249 = arith.index_cast %add3A_248 : i32 to index
        %get3A_250 = tpu.vector_load %arg6[%get3A_249] {strides = array<i32>} : memref<16384xi32, #tpu.memory_space<vmem>>, vector<16xi32>,
        %gather3A_251 = tpu.vector_load_idx %arg5[%broadcast_in_dim3A_37, %get3A_250] : memref<1x100000xf32, #tpu.memory_space<vmem>>[vector<16xi32>, vector<16xi32>], vector<16xf32>,
        %add3A_252 = arith.constant 48 : i32
        %add3A_253 = arith.addi %mul3A_208, %add3A_252 : i32
        %swap3A_254 = arith.constant 0 : i32
        %swap3A_255 = arith.index_cast %swap3A_254 : i32 to index
        %swap3A_256 = arith.index_cast %add3A_253 : i32 to index
        %swap3A_257 = tpu.vector_load %arg7[%swap3A_255, %swap3A_256] {strides = array<i32>} : memref<2x4096xf32, #tpu.memory_space<vmem>>, vector<16xf32>,
        tpu.vector_store %arg7[%swap3A_255, %swap3A_256], %gather3A_251 {strides = array<i32>} : memref<2x4096xf32, #tpu.memory_space<vmem>>, vector<16xf32>,
        %add3A_258 = arith.constant 0 : i32
        %add3A_259 = arith.addi %add3A_258, %mul3A_208 : i32
        %add3A_260 = arith.constant 64 : i32
        %add3A_261 = arith.addi %add3A_259, %add3A_260 : i32
        %get3A_262 = arith.index_cast %add3A_261 : i32 to index
        %get3A_263 = tpu.vector_load %arg6[%get3A_262] {strides = array<i32>} : memref<16384xi32, #tpu.memory_space<vmem>>, vector<16xi32>,
        %gather3A_264 = tpu.vector_load_idx %arg5[%broadcast_in_dim3A_37, %get3A_263] : memref<1x100000xf32, #tpu.memory_space<vmem>>[vector<16xi32>, vector<16xi32>], vector<16xf32>,
        %add3A_265 = arith.constant 64 : i32
        %add3A_266 = arith.addi %mul3A_208, %add3A_265 : i32
        %swap3A_267 = arith.constant 0 : i32
        %swap3A_268 = arith.index_cast %swap3A_267 : i32 to index
        %swap3A_269 = arith.index_cast %add3A_266 : i32 to index
        %swap3A_270 = tpu.vector_load %arg7[%swap3A_268, %swap3A_269] {strides = array<i32>} : memref<2x4096xf32, #tpu.memory_space<vmem>>, vector<16xf32>,
        tpu.vector_store %arg7[%swap3A_268, %swap3A_269], %gather3A_264 {strides = array<i32>} : memref<2x4096xf32, #tpu.memory_space<vmem>>, vector<16xf32>,
        %add3A_271 = arith.constant 0 : i32
        %add3A_272 = arith.addi %add3A_271, %mul3A_208 : i32
        %add3A_273 = arith.constant 80 : i32
        %add3A_274 = arith.addi %add3A_272, %add3A_273 : i32
        %get3A_275 = arith.index_cast %add3A_274 : i32 to index
        %get3A_276 = tpu.vector_load %arg6[%get3A_275] {strides = array<i32>} : memref<16384xi32, #tpu.memory_space<vmem>>, vector<16xi32>,
        %gather3A_277 = tpu.vector_load_idx %arg5[%broadcast_in_dim3A_37, %get3A_276] : memref<1x100000xf32, #tpu.memory_space<vmem>>[vector<16xi32>, vector<16xi32>], vector<16xf32>,
        %add3A_278 = arith.constant 80 : i32
        %add3A_279 = arith.addi %mul3A_208, %add3A_278 : i32
        %swap3A_280 = arith.constant 0 : i32
        %swap3A_281 = arith.index_cast %swap3A_280 : i32 to index
        %swap3A_282 = arith.index_cast %add3A_279 : i32 to index
        %swap3A_283 = tpu.vector_load %arg7[%swap3A_281, %swap3A_282] {strides = array<i32>} : memref<2x4096xf32, #tpu.memory_space<vmem>>, vector<16xf32>,
        tpu.vector_store %arg7[%swap3A_281, %swap3A_282], %gather3A_277 {strides = array<i32>} : memref<2x4096xf32, #tpu.memory_space<vmem>>, vector<16xf32>,
        %add3A_284 = arith.constant 0 : i32
        %add3A_285 = arith.addi %add3A_284, %mul3A_208 : i32
        %add3A_286 = arith.constant 96 : i32
        %add3A_287 = arith.addi %add3A_285, %add3A_286 : i32
        %get3A_288 = arith.index_cast %add3A_287 : i32 to index
        %get3A_289 = tpu.vector_load %arg6[%get3A_288] {strides = array<i32>} : memref<16384xi32, #tpu.memory_space<vmem>>, vector<16xi32>,
        %gather3A_290 = tpu.vector_load_idx %arg5[%broadcast_in_dim3A_37, %get3A_289] : memref<1x100000xf32, #tpu.memory_space<vmem>>[vector<16xi32>, vector<16xi32>], vector<16xf32>,
        %add3A_291 = arith.constant 96 : i32
        %add3A_292 = arith.addi %mul3A_208, %add3A_291 : i32
        %swap3A_293 = arith.constant 0 : i32
        %swap3A_294 = arith.index_cast %swap3A_293 : i32 to index
        %swap3A_295 = arith.index_cast %add3A_292 : i32 to index
        %swap3A_296 = tpu.vector_load %arg7[%swap3A_294, %swap3A_295] {strides = array<i32>} : memref<2x4096xf32, #tpu.memory_space<vmem>>, vector<16xf32>,
        tpu.vector_store %arg7[%swap3A_294, %swap3A_295], %gather3A_290 {strides = array<i32>} : memref<2x4096xf32, #tpu.memory_space<vmem>>, vector<16xf32>,
        %add3A_297 = arith.constant 0 : i32
        %add3A_298 = arith.addi %add3A_297, %mul3A_208 : i32
        %add3A_299 = arith.constant 112 : i32
        %add3A_300 = arith.addi %add3A_298, %add3A_299 : i32
        %get3A_301 = arith.index_cast %add3A_300 : i32 to index
        %get3A_302 = tpu.vector_load %arg6[%get3A_301] {strides = array<i32>} : memref<16384xi32, #tpu.memory_space<vmem>>, vector<16xi32>,
        %gather3A_303 = tpu.vector_load_idx %arg5[%broadcast_in_dim3A_37, %get3A_302] : memref<1x100000xf32, #tpu.memory_space<vmem>>[vector<16xi32>, vector<16xi32>], vector<16xf32>,
        %add3A_304 = arith.constant 112 : i32
        %add3A_305 = arith.addi %mul3A_208, %add3A_304 : i32
        %swap3A_306 = arith.constant 0 : i32
        %swap3A_307 = arith.index_cast %swap3A_306 : i32 to index
        %swap3A_308 = arith.index_cast %add3A_305 : i32 to index
        %swap3A_309 = tpu.vector_load %arg7[%swap3A_307, %swap3A_308] {strides = array<i32>} : memref<2x4096xf32, #tpu.memory_space<vmem>>, vector<16xf32>,
        tpu.vector_store %arg7[%swap3A_307, %swap3A_308], %gather3A_303 {strides = array<i32>} : memref<2x4096xf32, #tpu.memory_space<vmem>>, vector<16xf32>,
      }
      %scan3A_79 = arith.constant 32 : i32
      %mul3A_80 = arith.constant 16384 : i32
      %mul3A_81 = arith.muli %add3A_68, %mul3A_80 : i32
      %add3A_82 = arith.constant 0 : i32
      %add3A_83 = arith.addi %mul3A_81, %add3A_82 : i32
      %dma_start3A_84 = arith.constant 0 : i32
      %dma_start3A_85 = arith.constant 0 : i32
      %dma_start3A_86 = tpu.memref_slice %arg7[%dma_start3A_84, %dma_start3A_85] : memref<2x4096xf32, #tpu.memory_space<vmem>> -> memref<1x4096xf32, #tpu.memory_space<vmem>>
      %dma_start3A_87 = tpu.memref_squeeze %dma_start3A_86 : memref<1x4096xf32, #tpu.memory_space<vmem>> -> memref<4096xf32, #tpu.memory_space<vmem>>
      %dma_start3A_88 = tpu.memref_slice %arg4[%add3A_83] : memref<13893632xf32, #tpu.memory_space<hbm>> -> memref<4096xf32, #tpu.memory_space<hbm>>
      %dma_start3A_89 = tpu.memref_slice %arg4[%add3A_83] : memref<13893632xf32, #tpu.memory_space<hbm>> -> memref<4096xf32, #tpu.memory_space<hbm>>
      %dma_start3A_90 = arith.constant 0 : i32
      %dma_start3A_91 = tpu.memref_slice %arg7[%dma_start3A_84, %dma_start3A_90] : memref<2x4096xf32, #tpu.memory_space<vmem>> -> memref<1x4096xf32, #tpu.memory_space<vmem>>
      %dma_start3A_92 = tpu.memref_squeeze %dma_start3A_91 : memref<1x4096xf32, #tpu.memory_space<vmem>> -> memref<4096xf32, #tpu.memory_space<vmem>>
      tpu.enqueue_dma source(%dma_start3A_92 : memref<4096xf32, #tpu.memory_space<vmem>>) target(%dma_start3A_89 : memref<4096xf32, #tpu.memory_space<hbm>>) target_semaphore(%arg8 : memref<!tpu.dma_semaphore, #tpu.memory_space<semaphore_mem>>)
      %scan3A_93 = arith.constant 0 : i32
      %scan3A_94 = arith.constant 0 : i32
      %scan3A_95 = arith.constant 32 : i32
      %scan3A_96 = arith.addi %scan3A_94, %scan3A_95 : i32
      %scan3A_97 = arith.constant 1 : i32
      scf.for %scan3A_206 = %scan3A_94 to %scan3A_96 step %scan3A_97  : i32 {
        %mul3A_207 = arith.constant 128 : i32
        %mul3A_208 = arith.muli %scan3A_206, %mul3A_207 : i32
        %add3A_209 = arith.constant 4096 : i32
        %add3A_210 = arith.addi %add3A_209, %mul3A_208 : i32
        %add3A_211 = arith.constant 0 : i32
        %add3A_212 = arith.addi %add3A_210, %add3A_211 : i32
        %get3A = arith.index_cast %add3A_212 : i32 to index
        %get3A_213 = tpu.vector_load %arg6[%get3A] {strides = array<i32>} : memref<16384xi32, #tpu.memory_space<vmem>>, vector<16xi32>,
        %gather3A = tpu.vector_load_idx %arg5[%broadcast_in_dim3A_37, %get3A_213] : memref<1x100000xf32, #tpu.memory_space<vmem>>[vector<16xi32>, vector<16xi32>], vector<16xf32>,
        %add3A_214 = arith.constant 0 : i32
        %add3A_215 = arith.addi %mul3A_208, %add3A_214 : i32
        %swap3A = arith.constant 1 : i32
        %swap3A_216 = arith.index_cast %swap3A : i32 to index
        %swap3A_217 = arith.index_cast %add3A_215 : i32 to index
        %swap3A_218 = tpu.vector_load %arg7[%swap3A_216, %swap3A_217] {strides = array<i32>} : memref<2x4096xf32, #tpu.memory_space<vmem>>, vector<16xf32>,
        tpu.vector_store %arg7[%swap3A_216, %swap3A_217], %gather3A {strides = array<i32>} : memref<2x4096xf32, #tpu.memory_space<vmem>>, vector<16xf32>,
        %add3A_219 = arith.constant 4096 : i32
        %add3A_220 = arith.addi %add3A_219, %mul3A_208 : i32
        %add3A_221 = arith.constant 16 : i32
        %add3A_222 = arith.addi %add3A_220, %add3A_221 : i32
        %get3A_223 = arith.index_cast %add3A_222 : i32 to index
        %get3A_224 = tpu.vector_load %arg6[%get3A_223] {strides = array<i32>} : memref<16384xi32, #tpu.memory_space<vmem>>, vector<16xi32>,
        %gather3A_225 = tpu.vector_load_idx %arg5[%broadcast_in_dim3A_37, %get3A_224] : memref<1x100000xf32, #tpu.memory_space<vmem>>[vector<16xi32>, vector<16xi32>], vector<16xf32>,
        %add3A_226 = arith.constant 16 : i32
        %add3A_227 = arith.addi %mul3A_208, %add3A_226 : i32
        %swap3A_228 = arith.constant 1 : i32
        %swap3A_229 = arith.index_cast %swap3A_228 : i32 to index
        %swap3A_230 = arith.index_cast %add3A_227 : i32 to index
        %swap3A_231 = tpu.vector_load %arg7[%swap3A_229, %swap3A_230] {strides = array<i32>} : memref<2x4096xf32, #tpu.memory_space<vmem>>, vector<16xf32>,
        tpu.vector_store %arg7[%swap3A_229, %swap3A_230], %gather3A_225 {strides = array<i32>} : memref<2x4096xf32, #tpu.memory_space<vmem>>, vector<16xf32>,
        %add3A_232 = arith.constant 4096 : i32
        %add3A_233 = arith.addi %add3A_232, %mul3A_208 : i32
        %add3A_234 = arith.constant 32 : i32
        %add3A_235 = arith.addi %add3A_233, %add3A_234 : i32
        %get3A_236 = arith.index_cast %add3A_235 : i32 to index
        %get3A_237 = tpu.vector_load %arg6[%get3A_236] {strides = array<i32>} : memref<16384xi32, #tpu.memory_space<vmem>>, vector<16xi32>,
        %gather3A_238 = tpu.vector_load_idx %arg5[%broadcast_in_dim3A_37, %get3A_237] : memref<1x100000xf32, #tpu.memory_space<vmem>>[vector<16xi32>, vector<16xi32>], vector<16xf32>,
        %add3A_239 = arith.constant 32 : i32
        %add3A_240 = arith.addi %mul3A_208, %add3A_239 : i32
        %swap3A_241 = arith.constant 1 : i32
        %swap3A_242 = arith.index_cast %swap3A_241 : i32 to index
        %swap3A_243 = arith.index_cast %add3A_240 : i32 to index
        %swap3A_244 = tpu.vector_load %arg7[%swap3A_242, %swap3A_243] {strides = array<i32>} : memref<2x4096xf32, #tpu.memory_space<vmem>>, vector<16xf32>,
        tpu.vector_store %arg7[%swap3A_242, %swap3A_243], %gather3A_238 {strides = array<i32>} : memref<2x4096xf32, #tpu.memory_space<vmem>>, vector<16xf32>,
        %add3A_245 = arith.constant 4096 : i32
        %add3A_246 = arith.addi %add3A_245, %mul3A_208 : i32
        %add3A_247 = arith.constant 48 : i32
        %add3A_248 = arith.addi %add3A_246, %add3A_247 : i32
        %get3A_249 = arith.index_cast %add3A_248 : i32 to index
        %get3A_250 = tpu.vector_load %arg6[%get3A_249] {strides = array<i32>} : memref<16384xi32, #tpu.memory_space<vmem>>, vector<16xi32>,
        %gather3A_251 = tpu.vector_load_idx %arg5[%broadcast_in_dim3A_37, %get3A_250] : memref<1x100000xf32, #tpu.memory_space<vmem>>[vector<16xi32>, vector<16xi32>], vector<16xf32>,
        %add3A_252 = arith.constant 48 : i32
        %add3A_253 = arith.addi %mul3A_208, %add3A_252 : i32
        %swap3A_254 = arith.constant 1 : i32
        %swap3A_255 = arith.index_cast %swap3A_254 : i32 to index
        %swap3A_256 = arith.index_cast %add3A_253 : i32 to index
        %swap3A_257 = tpu.vector_load %arg7[%swap3A_255, %swap3A_256] {strides = array<i32>} : memref<2x4096xf32, #tpu.memory_space<vmem>>, vector<16xf32>,
        tpu.vector_store %arg7[%swap3A_255, %swap3A_256], %gather3A_251 {strides = array<i32>} : memref<2x4096xf32, #tpu.memory_space<vmem>>, vector<16xf32>,
        %add3A_258 = arith.constant 4096 : i32
        %add3A_259 = arith.addi %add3A_258, %mul3A_208 : i32
        %add3A_260 = arith.constant 64 : i32
        %add3A_261 = arith.addi %add3A_259, %add3A_260 : i32
        %get3A_262 = arith.index_cast %add3A_261 : i32 to index
        %get3A_263 = tpu.vector_load %arg6[%get3A_262] {strides = array<i32>} : memref<16384xi32, #tpu.memory_space<vmem>>, vector<16xi32>,
        %gather3A_264 = tpu.vector_load_idx %arg5[%broadcast_in_dim3A_37, %get3A_263] : memref<1x100000xf32, #tpu.memory_space<vmem>>[vector<16xi32>, vector<16xi32>], vector<16xf32>,
        %add3A_265 = arith.constant 64 : i32
        %add3A_266 = arith.addi %mul3A_208, %add3A_265 : i32
        %swap3A_267 = arith.constant 1 : i32
        %swap3A_268 = arith.index_cast %swap3A_267 : i32 to index
        %swap3A_269 = arith.index_cast %add3A_266 : i32 to index
        %swap3A_270 = tpu.vector_load %arg7[%swap3A_268, %swap3A_269] {strides = array<i32>} : memref<2x4096xf32, #tpu.memory_space<vmem>>, vector<16xf32>,
        tpu.vector_store %arg7[%swap3A_268, %swap3A_269], %gather3A_264 {strides = array<i32>} : memref<2x4096xf32, #tpu.memory_space<vmem>>, vector<16xf32>,
        %add3A_271 = arith.constant 4096 : i32
        %add3A_272 = arith.addi %add3A_271, %mul3A_208 : i32
        %add3A_273 = arith.constant 80 : i32
        %add3A_274 = arith.addi %add3A_272, %add3A_273 : i32
        %get3A_275 = arith.index_cast %add3A_274 : i32 to index
        %get3A_276 = tpu.vector_load %arg6[%get3A_275] {strides = array<i32>} : memref<16384xi32, #tpu.memory_space<vmem>>, vector<16xi32>,
        %gather3A_277 = tpu.vector_load_idx %arg5[%broadcast_in_dim3A_37, %get3A_276] : memref<1x100000xf32, #tpu.memory_space<vmem>>[vector<16xi32>, vector<16xi32>], vector<16xf32>,
        %add3A_278 = arith.constant 80 : i32
        %add3A_279 = arith.addi %mul3A_208, %add3A_278 : i32
        %swap3A_280 = arith.constant 1 : i32
        %swap3A_281 = arith.index_cast %swap3A_280 : i32 to index
        %swap3A_282 = arith.index_cast %add3A_279 : i32 to index
        %swap3A_283 = tpu.vector_load %arg7[%swap3A_281, %swap3A_282] {strides = array<i32>} : memref<2x4096xf32, #tpu.memory_space<vmem>>, vector<16xf32>,
        tpu.vector_store %arg7[%swap3A_281, %swap3A_282], %gather3A_277 {strides = array<i32>} : memref<2x4096xf32, #tpu.memory_space<vmem>>, vector<16xf32>,
        %add3A_284 = arith.constant 4096 : i32
        %add3A_285 = arith.addi %add3A_284, %mul3A_208 : i32
        %add3A_286 = arith.constant 96 : i32
        %add3A_287 = arith.addi %add3A_285, %add3A_286 : i32
        %get3A_288 = arith.index_cast %add3A_287 : i32 to index
        %get3A_289 = tpu.vector_load %arg6[%get3A_288] {strides = array<i32>} : memref<16384xi32, #tpu.memory_space<vmem>>, vector<16xi32>,
        %gather3A_290 = tpu.vector_load_idx %arg5[%broadcast_in_dim3A_37, %get3A_289] : memref<1x100000xf32, #tpu.memory_space<vmem>>[vector<16xi32>, vector<16xi32>], vector<16xf32>,
        %add3A_291 = arith.constant 96 : i32
        %add3A_292 = arith.addi %mul3A_208, %add3A_291 : i32
        %swap3A_293 = arith.constant 1 : i32
        %swap3A_294 = arith.index_cast %swap3A_293 : i32 to index
        %swap3A_295 = arith.index_cast %add3A_292 : i32 to index
        %swap3A_296 = tpu.vector_load %arg7[%swap3A_294, %swap3A_295] {strides = array<i32>} : memref<2x4096xf32, #tpu.memory_space<vmem>>, vector<16xf32>,
        tpu.vector_store %arg7[%swap3A_294, %swap3A_295], %gather3A_290 {strides = array<i32>} : memref<2x4096xf32, #tpu.memory_space<vmem>>, vector<16xf32>,
        %add3A_297 = arith.constant 4096 : i32
        %add3A_298 = arith.addi %add3A_297, %mul3A_208 : i32
        %add3A_299 = arith.constant 112 : i32
        %add3A_300 = arith.addi %add3A_298, %add3A_299 : i32
        %get3A_301 = arith.index_cast %add3A_300 : i32 to index
        %get3A_302 = tpu.vector_load %arg6[%get3A_301] {strides = array<i32>} : memref<16384xi32, #tpu.memory_space<vmem>>, vector<16xi32>,
        %gather3A_303 = tpu.vector_load_idx %arg5[%broadcast_in_dim3A_37, %get3A_302] : memref<1x100000xf32, #tpu.memory_space<vmem>>[vector<16xi32>, vector<16xi32>], vector<16xf32>,
        %add3A_304 = arith.constant 112 : i32
        %add3A_305 = arith.addi %mul3A_208, %add3A_304 : i32
        %swap3A_306 = arith.constant 1 : i32
        %swap3A_307 = arith.index_cast %swap3A_306 : i32 to index
        %swap3A_308 = arith.index_cast %add3A_305 : i32 to index
        %swap3A_309 = tpu.vector_load %arg7[%swap3A_307, %swap3A_308] {strides = array<i32>} : memref<2x4096xf32, #tpu.memory_space<vmem>>, vector<16xf32>,
        tpu.vector_store %arg7[%swap3A_307, %swap3A_308], %gather3A_303 {strides = array<i32>} : memref<2x4096xf32, #tpu.memory_space<vmem>>, vector<16xf32>,
      }
      %scan3A_98 = arith.constant 32 : i32
      %mul3A_99 = arith.constant 16384 : i32
      %mul3A_100 = arith.muli %add3A_68, %mul3A_99 : i32
      %add3A_101 = arith.constant 4096 : i32
      %add3A_102 = arith.addi %mul3A_100, %add3A_101 : i32
      %dma_start3A_103 = arith.constant 1 : i32
      %dma_start3A_104 = arith.constant 0 : i32
      %dma_start3A_105 = tpu.memref_slice %arg7[%dma_start3A_103, %dma_start3A_104] : memref<2x4096xf32, #tpu.memory_space<vmem>> -> memref<1x4096xf32, #tpu.memory_space<vmem>>
      %dma_start3A_106 = tpu.memref_squeeze %dma_start3A_105 : memref<1x4096xf32, #tpu.memory_space<vmem>> -> memref<4096xf32, #tpu.memory_space<vmem>>
      %dma_start3A_107 = tpu.memref_slice %arg4[%add3A_102] : memref<13893632xf32, #tpu.memory_space<hbm>> -> memref<4096xf32, #tpu.memory_space<hbm>>
      %dma_start3A_108 = tpu.memref_slice %arg4[%add3A_102] : memref<13893632xf32, #tpu.memory_space<hbm>> -> memref<4096xf32, #tpu.memory_space<hbm>>
      %dma_start3A_109 = arith.constant 0 : i32
      %dma_start3A_110 = tpu.memref_slice %arg7[%dma_start3A_103, %dma_start3A_109] : memref<2x4096xf32, #tpu.memory_space<vmem>> -> memref<1x4096xf32, #tpu.memory_space<vmem>>
      %dma_start3A_111 = tpu.memref_squeeze %dma_start3A_110 : memref<1x4096xf32, #tpu.memory_space<vmem>> -> memref<4096xf32, #tpu.memory_space<vmem>>
      tpu.enqueue_dma source(%dma_start3A_111 : memref<4096xf32, #tpu.memory_space<vmem>>) target(%dma_start3A_108 : memref<4096xf32, #tpu.memory_space<hbm>>) target_semaphore(%arg9 : memref<!tpu.dma_semaphore, #tpu.memory_space<semaphore_mem>>)
      %dma_wait3A_112 = arith.constant 0 : i32
      %dma_wait3A_113 = arith.constant 0 : i32
      %dma_wait3A_114 = tpu.memref_slice %arg7[%dma_wait3A_112, %dma_wait3A_113] : memref<2x4096xf32, #tpu.memory_space<vmem>> -> memref<1x4096xf32, #tpu.memory_space<vmem>>
      %dma_wait3A_115 = tpu.memref_squeeze %dma_wait3A_114 : memref<1x4096xf32, #tpu.memory_space<vmem>> -> memref<4096xf32, #tpu.memory_space<vmem>>
      %dma_wait3A_116 = arith.constant 0 : i32
      %dma_wait3A_117 = tpu.memref_slice %arg4[%dma_wait3A_116] : memref<13893632xf32, #tpu.memory_space<hbm>> -> memref<4096xf32, #tpu.memory_space<hbm>>
      %dma_wait3A_118 = arith.constant 0 : i32
      %dma_wait3A_119 = tpu.memref_slice %arg4[%dma_wait3A_118] : memref<13893632xf32, #tpu.memory_space<hbm>> -> memref<4096xf32, #tpu.memory_space<hbm>>
      %dma_wait3A_120 = arith.constant 0 : i32
      %dma_wait3A_121 = tpu.memref_slice %arg7[%dma_wait3A_112, %dma_wait3A_120] : memref<2x4096xf32, #tpu.memory_space<vmem>> -> memref<1x4096xf32, #tpu.memory_space<vmem>>
      %dma_wait3A_122 = tpu.memref_squeeze %dma_wait3A_121 : memref<1x4096xf32, #tpu.memory_space<vmem>> -> memref<4096xf32, #tpu.memory_space<vmem>>
      tpu.wait_dma2 semaphore(%arg8 : memref<!tpu.dma_semaphore, #tpu.memory_space<semaphore_mem>>) src(%dma_wait3A_122 : memref<4096xf32, #tpu.memory_space<vmem>>) dst(%dma_wait3A_119 : memref<4096xf32, #tpu.memory_space<hbm>>)
      %scan3A_123 = arith.constant 0 : i32
      %scan3A_124 = arith.constant 0 : i32
      %scan3A_125 = arith.constant 32 : i32
      %scan3A_126 = arith.addi %scan3A_124, %scan3A_125 : i32
      %scan3A_127 = arith.constant 1 : i32
      scf.for %scan3A_206 = %scan3A_124 to %scan3A_126 step %scan3A_127  : i32 {
        %mul3A_207 = arith.constant 128 : i32
        %mul3A_208 = arith.muli %scan3A_206, %mul3A_207 : i32
        %add3A_209 = arith.constant 8192 : i32
        %add3A_210 = arith.addi %add3A_209, %mul3A_208 : i32
        %add3A_211 = arith.constant 0 : i32
        %add3A_212 = arith.addi %add3A_210, %add3A_211 : i32
        %get3A = arith.index_cast %add3A_212 : i32 to index
        %get3A_213 = tpu.vector_load %arg6[%get3A] {strides = array<i32>} : memref<16384xi32, #tpu.memory_space<vmem>>, vector<16xi32>,
        %gather3A = tpu.vector_load_idx %arg5[%broadcast_in_dim3A_37, %get3A_213] : memref<1x100000xf32, #tpu.memory_space<vmem>>[vector<16xi32>, vector<16xi32>], vector<16xf32>,
        %add3A_214 = arith.constant 0 : i32
        %add3A_215 = arith.addi %mul3A_208, %add3A_214 : i32
        %swap3A = arith.constant 0 : i32
        %swap3A_216 = arith.index_cast %swap3A : i32 to index
        %swap3A_217 = arith.index_cast %add3A_215 : i32 to index
        %swap3A_218 = tpu.vector_load %arg7[%swap3A_216, %swap3A_217] {strides = array<i32>} : memref<2x4096xf32, #tpu.memory_space<vmem>>, vector<16xf32>,
        tpu.vector_store %arg7[%swap3A_216, %swap3A_217], %gather3A {strides = array<i32>} : memref<2x4096xf32, #tpu.memory_space<vmem>>, vector<16xf32>,
        %add3A_219 = arith.constant 8192 : i32
        %add3A_220 = arith.addi %add3A_219, %mul3A_208 : i32
        %add3A_221 = arith.constant 16 : i32
        %add3A_222 = arith.addi %add3A_220, %add3A_221 : i32
        %get3A_223 = arith.index_cast %add3A_222 : i32 to index
        %get3A_224 = tpu.vector_load %arg6[%get3A_223] {strides = array<i32>} : memref<16384xi32, #tpu.memory_space<vmem>>, vector<16xi32>,
        %gather3A_225 = tpu.vector_load_idx %arg5[%broadcast_in_dim3A_37, %get3A_224] : memref<1x100000xf32, #tpu.memory_space<vmem>>[vector<16xi32>, vector<16xi32>], vector<16xf32>,
        %add3A_226 = arith.constant 16 : i32
        %add3A_227 = arith.addi %mul3A_208, %add3A_226 : i32
        %swap3A_228 = arith.constant 0 : i32
        %swap3A_229 = arith.index_cast %swap3A_228 : i32 to index
        %swap3A_230 = arith.index_cast %add3A_227 : i32 to index
        %swap3A_231 = tpu.vector_load %arg7[%swap3A_229, %swap3A_230] {strides = array<i32>} : memref<2x4096xf32, #tpu.memory_space<vmem>>, vector<16xf32>,
        tpu.vector_store %arg7[%swap3A_229, %swap3A_230], %gather3A_225 {strides = array<i32>} : memref<2x4096xf32, #tpu.memory_space<vmem>>, vector<16xf32>,
        %add3A_232 = arith.constant 8192 : i32
        %add3A_233 = arith.addi %add3A_232, %mul3A_208 : i32
        %add3A_234 = arith.constant 32 : i32
        %add3A_235 = arith.addi %add3A_233, %add3A_234 : i32
        %get3A_236 = arith.index_cast %add3A_235 : i32 to index
        %get3A_237 = tpu.vector_load %arg6[%get3A_236] {strides = array<i32>} : memref<16384xi32, #tpu.memory_space<vmem>>, vector<16xi32>,
        %gather3A_238 = tpu.vector_load_idx %arg5[%broadcast_in_dim3A_37, %get3A_237] : memref<1x100000xf32, #tpu.memory_space<vmem>>[vector<16xi32>, vector<16xi32>], vector<16xf32>,
        %add3A_239 = arith.constant 32 : i32
        %add3A_240 = arith.addi %mul3A_208, %add3A_239 : i32
        %swap3A_241 = arith.constant 0 : i32
        %swap3A_242 = arith.index_cast %swap3A_241 : i32 to index
        %swap3A_243 = arith.index_cast %add3A_240 : i32 to index
        %swap3A_244 = tpu.vector_load %arg7[%swap3A_242, %swap3A_243] {strides = array<i32>} : memref<2x4096xf32, #tpu.memory_space<vmem>>, vector<16xf32>,
        tpu.vector_store %arg7[%swap3A_242, %swap3A_243], %gather3A_238 {strides = array<i32>} : memref<2x4096xf32, #tpu.memory_space<vmem>>, vector<16xf32>,
        %add3A_245 = arith.constant 8192 : i32
        %add3A_246 = arith.addi %add3A_245, %mul3A_208 : i32
        %add3A_247 = arith.constant 48 : i32
        %add3A_248 = arith.addi %add3A_246, %add3A_247 : i32
        %get3A_249 = arith.index_cast %add3A_248 : i32 to index
        %get3A_250 = tpu.vector_load %arg6[%get3A_249] {strides = array<i32>} : memref<16384xi32, #tpu.memory_space<vmem>>, vector<16xi32>,
        %gather3A_251 = tpu.vector_load_idx %arg5[%broadcast_in_dim3A_37, %get3A_250] : memref<1x100000xf32, #tpu.memory_space<vmem>>[vector<16xi32>, vector<16xi32>], vector<16xf32>,
        %add3A_252 = arith.constant 48 : i32
        %add3A_253 = arith.addi %mul3A_208, %add3A_252 : i32
        %swap3A_254 = arith.constant 0 : i32
        %swap3A_255 = arith.index_cast %swap3A_254 : i32 to index
        %swap3A_256 = arith.index_cast %add3A_253 : i32 to index
        %swap3A_257 = tpu.vector_load %arg7[%swap3A_255, %swap3A_256] {strides = array<i32>} : memref<2x4096xf32, #tpu.memory_space<vmem>>, vector<16xf32>,
        tpu.vector_store %arg7[%swap3A_255, %swap3A_256], %gather3A_251 {strides = array<i32>} : memref<2x4096xf32, #tpu.memory_space<vmem>>, vector<16xf32>,
        %add3A_258 = arith.constant 8192 : i32
        %add3A_259 = arith.addi %add3A_258, %mul3A_208 : i32
        %add3A_260 = arith.constant 64 : i32
        %add3A_261 = arith.addi %add3A_259, %add3A_260 : i32
        %get3A_262 = arith.index_cast %add3A_261 : i32 to index
        %get3A_263 = tpu.vector_load %arg6[%get3A_262] {strides = array<i32>} : memref<16384xi32, #tpu.memory_space<vmem>>, vector<16xi32>,
        %gather3A_264 = tpu.vector_load_idx %arg5[%broadcast_in_dim3A_37, %get3A_263] : memref<1x100000xf32, #tpu.memory_space<vmem>>[vector<16xi32>, vector<16xi32>], vector<16xf32>,
        %add3A_265 = arith.constant 64 : i32
        %add3A_266 = arith.addi %mul3A_208, %add3A_265 : i32
        %swap3A_267 = arith.constant 0 : i32
        %swap3A_268 = arith.index_cast %swap3A_267 : i32 to index
        %swap3A_269 = arith.index_cast %add3A_266 : i32 to index
        %swap3A_270 = tpu.vector_load %arg7[%swap3A_268, %swap3A_269] {strides = array<i32>} : memref<2x4096xf32, #tpu.memory_space<vmem>>, vector<16xf32>,
        tpu.vector_store %arg7[%swap3A_268, %swap3A_269], %gather3A_264 {strides = array<i32>} : memref<2x4096xf32, #tpu.memory_space<vmem>>, vector<16xf32>,
        %add3A_271 = arith.constant 8192 : i32
        %add3A_272 = arith.addi %add3A_271, %mul3A_208 : i32
        %add3A_273 = arith.constant 80 : i32
        %add3A_274 = arith.addi %add3A_272, %add3A_273 : i32
        %get3A_275 = arith.index_cast %add3A_274 : i32 to index
        %get3A_276 = tpu.vector_load %arg6[%get3A_275] {strides = array<i32>} : memref<16384xi32, #tpu.memory_space<vmem>>, vector<16xi32>,
        %gather3A_277 = tpu.vector_load_idx %arg5[%broadcast_in_dim3A_37, %get3A_276] : memref<1x100000xf32, #tpu.memory_space<vmem>>[vector<16xi32>, vector<16xi32>], vector<16xf32>,
        %add3A_278 = arith.constant 80 : i32
        %add3A_279 = arith.addi %mul3A_208, %add3A_278 : i32
        %swap3A_280 = arith.constant 0 : i32
        %swap3A_281 = arith.index_cast %swap3A_280 : i32 to index
        %swap3A_282 = arith.index_cast %add3A_279 : i32 to index
        %swap3A_283 = tpu.vector_load %arg7[%swap3A_281, %swap3A_282] {strides = array<i32>} : memref<2x4096xf32, #tpu.memory_space<vmem>>, vector<16xf32>,
        tpu.vector_store %arg7[%swap3A_281, %swap3A_282], %gather3A_277 {strides = array<i32>} : memref<2x4096xf32, #tpu.memory_space<vmem>>, vector<16xf32>,
        %add3A_284 = arith.constant 8192 : i32
        %add3A_285 = arith.addi %add3A_284, %mul3A_208 : i32
        %add3A_286 = arith.constant 96 : i32
        %add3A_287 = arith.addi %add3A_285, %add3A_286 : i32
        %get3A_288 = arith.index_cast %add3A_287 : i32 to index
        %get3A_289 = tpu.vector_load %arg6[%get3A_288] {strides = array<i32>} : memref<16384xi32, #tpu.memory_space<vmem>>, vector<16xi32>,
        %gather3A_290 = tpu.vector_load_idx %arg5[%broadcast_in_dim3A_37, %get3A_289] : memref<1x100000xf32, #tpu.memory_space<vmem>>[vector<16xi32>, vector<16xi32>], vector<16xf32>,
        %add3A_291 = arith.constant 96 : i32
        %add3A_292 = arith.addi %mul3A_208, %add3A_291 : i32
        %swap3A_293 = arith.constant 0 : i32
        %swap3A_294 = arith.index_cast %swap3A_293 : i32 to index
        %swap3A_295 = arith.index_cast %add3A_292 : i32 to index
        %swap3A_296 = tpu.vector_load %arg7[%swap3A_294, %swap3A_295] {strides = array<i32>} : memref<2x4096xf32, #tpu.memory_space<vmem>>, vector<16xf32>,
        tpu.vector_store %arg7[%swap3A_294, %swap3A_295], %gather3A_290 {strides = array<i32>} : memref<2x4096xf32, #tpu.memory_space<vmem>>, vector<16xf32>,
        %add3A_297 = arith.constant 8192 : i32
        %add3A_298 = arith.addi %add3A_297, %mul3A_208 : i32
        %add3A_299 = arith.constant 112 : i32
        %add3A_300 = arith.addi %add3A_298, %add3A_299 : i32
        %get3A_301 = arith.index_cast %add3A_300 : i32 to index
        %get3A_302 = tpu.vector_load %arg6[%get3A_301] {strides = array<i32>} : memref<16384xi32, #tpu.memory_space<vmem>>, vector<16xi32>,
        %gather3A_303 = tpu.vector_load_idx %arg5[%broadcast_in_dim3A_37, %get3A_302] : memref<1x100000xf32, #tpu.memory_space<vmem>>[vector<16xi32>, vector<16xi32>], vector<16xf32>,
        %add3A_304 = arith.constant 112 : i32
        %add3A_305 = arith.addi %mul3A_208, %add3A_304 : i32
        %swap3A_306 = arith.constant 0 : i32
        %swap3A_307 = arith.index_cast %swap3A_306 : i32 to index
        %swap3A_308 = arith.index_cast %add3A_305 : i32 to index
        %swap3A_309 = tpu.vector_load %arg7[%swap3A_307, %swap3A_308] {strides = array<i32>} : memref<2x4096xf32, #tpu.memory_space<vmem>>, vector<16xf32>,
        tpu.vector_store %arg7[%swap3A_307, %swap3A_308], %gather3A_303 {strides = array<i32>} : memref<2x4096xf32, #tpu.memory_space<vmem>>, vector<16xf32>,
      }
      %scan3A_128 = arith.constant 32 : i32
      %mul3A_129 = arith.constant 16384 : i32
      %mul3A_130 = arith.muli %add3A_68, %mul3A_129 : i32
      %add3A_131 = arith.constant 8192 : i32
      %add3A_132 = arith.addi %mul3A_130, %add3A_131 : i32
      %dma_start3A_133 = arith.constant 0 : i32
      %dma_start3A_134 = arith.constant 0 : i32
      %dma_start3A_135 = tpu.memref_slice %arg7[%dma_start3A_133, %dma_start3A_134] : memref<2x4096xf32, #tpu.memory_space<vmem>> -> memref<1x4096xf32, #tpu.memory_space<vmem>>
      %dma_start3A_136 = tpu.memref_squeeze %dma_start3A_135 : memref<1x4096xf32, #tpu.memory_space<vmem>> -> memref<4096xf32, #tpu.memory_space<vmem>>
      %dma_start3A_137 = tpu.memref_slice %arg4[%add3A_132] : memref<13893632xf32, #tpu.memory_space<hbm>> -> memref<4096xf32, #tpu.memory_space<hbm>>
      %dma_start3A_138 = tpu.memref_slice %arg4[%add3A_132] : memref<13893632xf32, #tpu.memory_space<hbm>> -> memref<4096xf32, #tpu.memory_space<hbm>>
      %dma_start3A_139 = arith.constant 0 : i32
      %dma_start3A_140 = tpu.memref_slice %arg7[%dma_start3A_133, %dma_start3A_139] : memref<2x4096xf32, #tpu.memory_space<vmem>> -> memref<1x4096xf32, #tpu.memory_space<vmem>>
      %dma_start3A_141 = tpu.memref_squeeze %dma_start3A_140 : memref<1x4096xf32, #tpu.memory_space<vmem>> -> memref<4096xf32, #tpu.memory_space<vmem>>
      tpu.enqueue_dma source(%dma_start3A_141 : memref<4096xf32, #tpu.memory_space<vmem>>) target(%dma_start3A_138 : memref<4096xf32, #tpu.memory_space<hbm>>) target_semaphore(%arg8 : memref<!tpu.dma_semaphore, #tpu.memory_space<semaphore_mem>>)
      %dma_wait3A_142 = arith.constant 1 : i32
      %dma_wait3A_143 = arith.constant 0 : i32
      %dma_wait3A_144 = tpu.memref_slice %arg7[%dma_wait3A_142, %dma_wait3A_143] : memref<2x4096xf32, #tpu.memory_space<vmem>> -> memref<1x4096xf32, #tpu.memory_space<vmem>>
      %dma_wait3A_145 = tpu.memref_squeeze %dma_wait3A_144 : memref<1x4096xf32, #tpu.memory_space<vmem>> -> memref<4096xf32, #tpu.memory_space<vmem>>
      %dma_wait3A_146 = arith.constant 0 : i32
      %dma_wait3A_147 = tpu.memref_slice %arg4[%dma_wait3A_146] : memref<13893632xf32, #tpu.memory_space<hbm>> -> memref<4096xf32, #tpu.memory_space<hbm>>
      %dma_wait3A_148 = arith.constant 0 : i32
      %dma_wait3A_149 = tpu.memref_slice %arg4[%dma_wait3A_148] : memref<13893632xf32, #tpu.memory_space<hbm>> -> memref<4096xf32, #tpu.memory_space<hbm>>
      %dma_wait3A_150 = arith.constant 0 : i32
      %dma_wait3A_151 = tpu.memref_slice %arg7[%dma_wait3A_142, %dma_wait3A_150] : memref<2x4096xf32, #tpu.memory_space<vmem>> -> memref<1x4096xf32, #tpu.memory_space<vmem>>
      %dma_wait3A_152 = tpu.memref_squeeze %dma_wait3A_151 : memref<1x4096xf32, #tpu.memory_space<vmem>> -> memref<4096xf32, #tpu.memory_space<vmem>>
      tpu.wait_dma2 semaphore(%arg9 : memref<!tpu.dma_semaphore, #tpu.memory_space<semaphore_mem>>) src(%dma_wait3A_152 : memref<4096xf32, #tpu.memory_space<vmem>>) dst(%dma_wait3A_149 : memref<4096xf32, #tpu.memory_space<hbm>>)
      %scan3A_153 = arith.constant 0 : i32
      %scan3A_154 = arith.constant 0 : i32
      %scan3A_155 = arith.constant 32 : i32
      %scan3A_156 = arith.addi %scan3A_154, %scan3A_155 : i32
      %scan3A_157 = arith.constant 1 : i32
      scf.for %scan3A_206 = %scan3A_154 to %scan3A_156 step %scan3A_157  : i32 {
        %mul3A_207 = arith.constant 128 : i32
        %mul3A_208 = arith.muli %scan3A_206, %mul3A_207 : i32
        %add3A_209 = arith.constant 12288 : i32
        %add3A_210 = arith.addi %add3A_209, %mul3A_208 : i32
        %add3A_211 = arith.constant 0 : i32
        %add3A_212 = arith.addi %add3A_210, %add3A_211 : i32
        %get3A = arith.index_cast %add3A_212 : i32 to index
        %get3A_213 = tpu.vector_load %arg6[%get3A] {strides = array<i32>} : memref<16384xi32, #tpu.memory_space<vmem>>, vector<16xi32>,
        %gather3A = tpu.vector_load_idx %arg5[%broadcast_in_dim3A_37, %get3A_213] : memref<1x100000xf32, #tpu.memory_space<vmem>>[vector<16xi32>, vector<16xi32>], vector<16xf32>,
        %add3A_214 = arith.constant 0 : i32
        %add3A_215 = arith.addi %mul3A_208, %add3A_214 : i32
        %swap3A = arith.constant 1 : i32
        %swap3A_216 = arith.index_cast %swap3A : i32 to index
        %swap3A_217 = arith.index_cast %add3A_215 : i32 to index
        %swap3A_218 = tpu.vector_load %arg7[%swap3A_216, %swap3A_217] {strides = array<i32>} : memref<2x4096xf32, #tpu.memory_space<vmem>>, vector<16xf32>,
        tpu.vector_store %arg7[%swap3A_216, %swap3A_217], %gather3A {strides = array<i32>} : memref<2x4096xf32, #tpu.memory_space<vmem>>, vector<16xf32>,
        %add3A_219 = arith.constant 12288 : i32
        %add3A_220 = arith.addi %add3A_219, %mul3A_208 : i32
        %add3A_221 = arith.constant 16 : i32
        %add3A_222 = arith.addi %add3A_220, %add3A_221 : i32
        %get3A_223 = arith.index_cast %add3A_222 : i32 to index
        %get3A_224 = tpu.vector_load %arg6[%get3A_223] {strides = array<i32>} : memref<16384xi32, #tpu.memory_space<vmem>>, vector<16xi32>,
        %gather3A_225 = tpu.vector_load_idx %arg5[%broadcast_in_dim3A_37, %get3A_224] : memref<1x100000xf32, #tpu.memory_space<vmem>>[vector<16xi32>, vector<16xi32>], vector<16xf32>,
        %add3A_226 = arith.constant 16 : i32
        %add3A_227 = arith.addi %mul3A_208, %add3A_226 : i32
        %swap3A_228 = arith.constant 1 : i32
        %swap3A_229 = arith.index_cast %swap3A_228 : i32 to index
        %swap3A_230 = arith.index_cast %add3A_227 : i32 to index
        %swap3A_231 = tpu.vector_load %arg7[%swap3A_229, %swap3A_230] {strides = array<i32>} : memref<2x4096xf32, #tpu.memory_space<vmem>>, vector<16xf32>,
        tpu.vector_store %arg7[%swap3A_229, %swap3A_230], %gather3A_225 {strides = array<i32>} : memref<2x4096xf32, #tpu.memory_space<vmem>>, vector<16xf32>,
        %add3A_232 = arith.constant 12288 : i32
        %add3A_233 = arith.addi %add3A_232, %mul3A_208 : i32
        %add3A_234 = arith.constant 32 : i32
        %add3A_235 = arith.addi %add3A_233, %add3A_234 : i32
        %get3A_236 = arith.index_cast %add3A_235 : i32 to index
        %get3A_237 = tpu.vector_load %arg6[%get3A_236] {strides = array<i32>} : memref<16384xi32, #tpu.memory_space<vmem>>, vector<16xi32>,
        %gather3A_238 = tpu.vector_load_idx %arg5[%broadcast_in_dim3A_37, %get3A_237] : memref<1x100000xf32, #tpu.memory_space<vmem>>[vector<16xi32>, vector<16xi32>], vector<16xf32>,
        %add3A_239 = arith.constant 32 : i32
        %add3A_240 = arith.addi %mul3A_208, %add3A_239 : i32
        %swap3A_241 = arith.constant 1 : i32
        %swap3A_242 = arith.index_cast %swap3A_241 : i32 to index
        %swap3A_243 = arith.index_cast %add3A_240 : i32 to index
        %swap3A_244 = tpu.vector_load %arg7[%swap3A_242, %swap3A_243] {strides = array<i32>} : memref<2x4096xf32, #tpu.memory_space<vmem>>, vector<16xf32>,
        tpu.vector_store %arg7[%swap3A_242, %swap3A_243], %gather3A_238 {strides = array<i32>} : memref<2x4096xf32, #tpu.memory_space<vmem>>, vector<16xf32>,
        %add3A_245 = arith.constant 12288 : i32
        %add3A_246 = arith.addi %add3A_245, %mul3A_208 : i32
        %add3A_247 = arith.constant 48 : i32
        %add3A_248 = arith.addi %add3A_246, %add3A_247 : i32
        %get3A_249 = arith.index_cast %add3A_248 : i32 to index
        %get3A_250 = tpu.vector_load %arg6[%get3A_249] {strides = array<i32>} : memref<16384xi32, #tpu.memory_space<vmem>>, vector<16xi32>,
        %gather3A_251 = tpu.vector_load_idx %arg5[%broadcast_in_dim3A_37, %get3A_250] : memref<1x100000xf32, #tpu.memory_space<vmem>>[vector<16xi32>, vector<16xi32>], vector<16xf32>,
        %add3A_252 = arith.constant 48 : i32
        %add3A_253 = arith.addi %mul3A_208, %add3A_252 : i32
        %swap3A_254 = arith.constant 1 : i32
        %swap3A_255 = arith.index_cast %swap3A_254 : i32 to index
        %swap3A_256 = arith.index_cast %add3A_253 : i32 to index
        %swap3A_257 = tpu.vector_load %arg7[%swap3A_255, %swap3A_256] {strides = array<i32>} : memref<2x4096xf32, #tpu.memory_space<vmem>>, vector<16xf32>,
        tpu.vector_store %arg7[%swap3A_255, %swap3A_256], %gather3A_251 {strides = array<i32>} : memref<2x4096xf32, #tpu.memory_space<vmem>>, vector<16xf32>,
        %add3A_258 = arith.constant 12288 : i32
        %add3A_259 = arith.addi %add3A_258, %mul3A_208 : i32
        %add3A_260 = arith.constant 64 : i32
        %add3A_261 = arith.addi %add3A_259, %add3A_260 : i32
        %get3A_262 = arith.index_cast %add3A_261 : i32 to index
        %get3A_263 = tpu.vector_load %arg6[%get3A_262] {strides = array<i32>} : memref<16384xi32, #tpu.memory_space<vmem>>, vector<16xi32>,
        %gather3A_264 = tpu.vector_load_idx %arg5[%broadcast_in_dim3A_37, %get3A_263] : memref<1x100000xf32, #tpu.memory_space<vmem>>[vector<16xi32>, vector<16xi32>], vector<16xf32>,
        %add3A_265 = arith.constant 64 : i32
        %add3A_266 = arith.addi %mul3A_208, %add3A_265 : i32
        %swap3A_267 = arith.constant 1 : i32
        %swap3A_268 = arith.index_cast %swap3A_267 : i32 to index
        %swap3A_269 = arith.index_cast %add3A_266 : i32 to index
        %swap3A_270 = tpu.vector_load %arg7[%swap3A_268, %swap3A_269] {strides = array<i32>} : memref<2x4096xf32, #tpu.memory_space<vmem>>, vector<16xf32>,
        tpu.vector_store %arg7[%swap3A_268, %swap3A_269], %gather3A_264 {strides = array<i32>} : memref<2x4096xf32, #tpu.memory_space<vmem>>, vector<16xf32>,
        %add3A_271 = arith.constant 12288 : i32
        %add3A_272 = arith.addi %add3A_271, %mul3A_208 : i32
        %add3A_273 = arith.constant 80 : i32
        %add3A_274 = arith.addi %add3A_272, %add3A_273 : i32
        %get3A_275 = arith.index_cast %add3A_274 : i32 to index
        %get3A_276 = tpu.vector_load %arg6[%get3A_275] {strides = array<i32>} : memref<16384xi32, #tpu.memory_space<vmem>>, vector<16xi32>,
        %gather3A_277 = tpu.vector_load_idx %arg5[%broadcast_in_dim3A_37, %get3A_276] : memref<1x100000xf32, #tpu.memory_space<vmem>>[vector<16xi32>, vector<16xi32>], vector<16xf32>,
        %add3A_278 = arith.constant 80 : i32
        %add3A_279 = arith.addi %mul3A_208, %add3A_278 : i32
        %swap3A_280 = arith.constant 1 : i32
        %swap3A_281 = arith.index_cast %swap3A_280 : i32 to index
        %swap3A_282 = arith.index_cast %add3A_279 : i32 to index
        %swap3A_283 = tpu.vector_load %arg7[%swap3A_281, %swap3A_282] {strides = array<i32>} : memref<2x4096xf32, #tpu.memory_space<vmem>>, vector<16xf32>,
        tpu.vector_store %arg7[%swap3A_281, %swap3A_282], %gather3A_277 {strides = array<i32>} : memref<2x4096xf32, #tpu.memory_space<vmem>>, vector<16xf32>,
        %add3A_284 = arith.constant 12288 : i32
        %add3A_285 = arith.addi %add3A_284, %mul3A_208 : i32
        %add3A_286 = arith.constant 96 : i32
        %add3A_287 = arith.addi %add3A_285, %add3A_286 : i32
        %get3A_288 = arith.index_cast %add3A_287 : i32 to index
        %get3A_289 = tpu.vector_load %arg6[%get3A_288] {strides = array<i32>} : memref<16384xi32, #tpu.memory_space<vmem>>, vector<16xi32>,
        %gather3A_290 = tpu.vector_load_idx %arg5[%broadcast_in_dim3A_37, %get3A_289] : memref<1x100000xf32, #tpu.memory_space<vmem>>[vector<16xi32>, vector<16xi32>], vector<16xf32>,
        %add3A_291 = arith.constant 96 : i32
        %add3A_292 = arith.addi %mul3A_208, %add3A_291 : i32
        %swap3A_293 = arith.constant 1 : i32
        %swap3A_294 = arith.index_cast %swap3A_293 : i32 to index
        %swap3A_295 = arith.index_cast %add3A_292 : i32 to index
        %swap3A_296 = tpu.vector_load %arg7[%swap3A_294, %swap3A_295] {strides = array<i32>} : memref<2x4096xf32, #tpu.memory_space<vmem>>, vector<16xf32>,
        tpu.vector_store %arg7[%swap3A_294, %swap3A_295], %gather3A_290 {strides = array<i32>} : memref<2x4096xf32, #tpu.memory_space<vmem>>, vector<16xf32>,
        %add3A_297 = arith.constant 12288 : i32
        %add3A_298 = arith.addi %add3A_297, %mul3A_208 : i32
        %add3A_299 = arith.constant 112 : i32
        %add3A_300 = arith.addi %add3A_298, %add3A_299 : i32
        %get3A_301 = arith.index_cast %add3A_300 : i32 to index
        %get3A_302 = tpu.vector_load %arg6[%get3A_301] {strides = array<i32>} : memref<16384xi32, #tpu.memory_space<vmem>>, vector<16xi32>,
        %gather3A_303 = tpu.vector_load_idx %arg5[%broadcast_in_dim3A_37, %get3A_302] : memref<1x100000xf32, #tpu.memory_space<vmem>>[vector<16xi32>, vector<16xi32>], vector<16xf32>,
        %add3A_304 = arith.constant 112 : i32
        %add3A_305 = arith.addi %mul3A_208, %add3A_304 : i32
        %swap3A_306 = arith.constant 1 : i32
        %swap3A_307 = arith.index_cast %swap3A_306 : i32 to index
        %swap3A_308 = arith.index_cast %add3A_305 : i32 to index
        %swap3A_309 = tpu.vector_load %arg7[%swap3A_307, %swap3A_308] {strides = array<i32>} : memref<2x4096xf32, #tpu.memory_space<vmem>>, vector<16xf32>,
        tpu.vector_store %arg7[%swap3A_307, %swap3A_308], %gather3A_303 {strides = array<i32>} : memref<2x4096xf32, #tpu.memory_space<vmem>>, vector<16xf32>,
      }
      %scan3A_158 = arith.constant 32 : i32
      %add3A_159 = arith.constant 1 : i32
      %add3A_160 = arith.addi %while3A_64, %add3A_159 : i32
      %add3A_161 = arith.addi %mul3A_32, %add3A_160 : i32
      %min3A_162 = arith.constant 105 : i32
      %min3A_163 = arith.minsi %add3A_161, %min3A_162 : i32
      %mul3A_164 = arith.constant 8 : i32
      %mul3A_165 = arith.muli %min3A_163, %mul3A_164 : i32
      %add3A_166 = arith.addi %mul3A_165, %select_n3A_9 : i32
      %dma_start3A_167 = arith.constant 0 : i32
      %dma_start3A_168 = tpu.memref_slice %arg2[%add3A_166, %dma_start3A_167] : memref<848x100000xf32, #tpu.memory_space<hbm>> -> memref<1x100000xf32, #tpu.memory_space<hbm>>
      %dma_start3A_169 = arith.constant 0 : i32
      %dma_start3A_170 = tpu.memref_slice %arg2[%add3A_166, %dma_start3A_169] : memref<848x100000xf32, #tpu.memory_space<hbm>> -> memref<1x100000xf32, #tpu.memory_space<hbm>>
      tpu.enqueue_dma source(%dma_start3A_170 : memref<1x100000xf32, #tpu.memory_space<hbm>>) target(%arg5 : memref<1x100000xf32, #tpu.memory_space<vmem>>) target_semaphore(%arg10 : memref<!tpu.dma_semaphore, #tpu.memory_space<semaphore_mem>>)
      %mul3A_171 = arith.constant 16384 : i32
      %mul3A_172 = arith.muli %add3A_68, %mul3A_171 : i32
      %add3A_173 = arith.constant 12288 : i32
      %add3A_174 = arith.addi %mul3A_172, %add3A_173 : i32
      %dma_start3A_175 = arith.constant 1 : i32
      %dma_start3A_176 = arith.constant 0 : i32
      %dma_start3A_177 = tpu.memref_slice %arg7[%dma_start3A_175, %dma_start3A_176] : memref<2x4096xf32, #tpu.memory_space<vmem>> -> memref<1x4096xf32, #tpu.memory_space<vmem>>
      %dma_start3A_178 = tpu.memref_squeeze %dma_start3A_177 : memref<1x4096xf32, #tpu.memory_space<vmem>> -> memref<4096xf32, #tpu.memory_space<vmem>>
      %dma_start3A_179 = tpu.memref_slice %arg4[%add3A_174] : memref<13893632xf32, #tpu.memory_space<hbm>> -> memref<4096xf32, #tpu.memory_space<hbm>>
      %dma_start3A_180 = tpu.memref_slice %arg4[%add3A_174] : memref<13893632xf32, #tpu.memory_space<hbm>> -> memref<4096xf32, #tpu.memory_space<hbm>>
      %dma_start3A_181 = arith.constant 0 : i32
      %dma_start3A_182 = tpu.memref_slice %arg7[%dma_start3A_175, %dma_start3A_181] : memref<2x4096xf32, #tpu.memory_space<vmem>> -> memref<1x4096xf32, #tpu.memory_space<vmem>>
      %dma_start3A_183 = tpu.memref_squeeze %dma_start3A_182 : memref<1x4096xf32, #tpu.memory_space<vmem>> -> memref<4096xf32, #tpu.memory_space<vmem>>
      tpu.enqueue_dma source(%dma_start3A_183 : memref<4096xf32, #tpu.memory_space<vmem>>) target(%dma_start3A_180 : memref<4096xf32, #tpu.memory_space<hbm>>) target_semaphore(%arg9 : memref<!tpu.dma_semaphore, #tpu.memory_space<semaphore_mem>>)
      %dma_wait3A_184 = arith.constant 0 : i32
      %dma_wait3A_185 = arith.constant 0 : i32
      %dma_wait3A_186 = tpu.memref_slice %arg7[%dma_wait3A_184, %dma_wait3A_185] : memref<2x4096xf32, #tpu.memory_space<vmem>> -> memref<1x4096xf32, #tpu.memory_space<vmem>>
      %dma_wait3A_187 = tpu.memref_squeeze %dma_wait3A_186 : memref<1x4096xf32, #tpu.memory_space<vmem>> -> memref<4096xf32, #tpu.memory_space<vmem>>
      %dma_wait3A_188 = arith.constant 0 : i32
      %dma_wait3A_189 = tpu.memref_slice %arg4[%dma_wait3A_188] : memref<13893632xf32, #tpu.memory_space<hbm>> -> memref<4096xf32, #tpu.memory_space<hbm>>
      %dma_wait3A_190 = arith.constant 0 : i32
      %dma_wait3A_191 = tpu.memref_slice %arg4[%dma_wait3A_190] : memref<13893632xf32, #tpu.memory_space<hbm>> -> memref<4096xf32, #tpu.memory_space<hbm>>
      %dma_wait3A_192 = arith.constant 0 : i32
      %dma_wait3A_193 = tpu.memref_slice %arg7[%dma_wait3A_184, %dma_wait3A_192] : memref<2x4096xf32, #tpu.memory_space<vmem>> -> memref<1x4096xf32, #tpu.memory_space<vmem>>
      %dma_wait3A_194 = tpu.memref_squeeze %dma_wait3A_193 : memref<1x4096xf32, #tpu.memory_space<vmem>> -> memref<4096xf32, #tpu.memory_space<vmem>>
      tpu.wait_dma2 semaphore(%arg8 : memref<!tpu.dma_semaphore, #tpu.memory_space<semaphore_mem>>) src(%dma_wait3A_194 : memref<4096xf32, #tpu.memory_space<vmem>>) dst(%dma_wait3A_191 : memref<4096xf32, #tpu.memory_space<hbm>>)
      %dma_wait3A_195 = arith.constant 1 : i32
      %dma_wait3A_196 = arith.constant 0 : i32
      %dma_wait3A_197 = tpu.memref_slice %arg7[%dma_wait3A_195, %dma_wait3A_196] : memref<2x4096xf32, #tpu.memory_space<vmem>> -> memref<1x4096xf32, #tpu.memory_space<vmem>>
      %dma_wait3A_198 = tpu.memref_squeeze %dma_wait3A_197 : memref<1x4096xf32, #tpu.memory_space<vmem>> -> memref<4096xf32, #tpu.memory_space<vmem>>
      %dma_wait3A_199 = arith.constant 0 : i32
      %dma_wait3A_200 = tpu.memref_slice %arg4[%dma_wait3A_199] : memref<13893632xf32, #tpu.memory_space<hbm>> -> memref<4096xf32, #tpu.memory_space<hbm>>
      %dma_wait3A_201 = arith.constant 0 : i32
      %dma_wait3A_202 = tpu.memref_slice %arg4[%dma_wait3A_201] : memref<13893632xf32, #tpu.memory_space<hbm>> -> memref<4096xf32, #tpu.memory_space<hbm>>
      %dma_wait3A_203 = arith.constant 0 : i32
      %dma_wait3A_204 = tpu.memref_slice %arg7[%dma_wait3A_195, %dma_wait3A_203] : memref<2x4096xf32, #tpu.memory_space<vmem>> -> memref<1x4096xf32, #tpu.memory_space<vmem>>
      %dma_wait3A_205 = tpu.memref_squeeze %dma_wait3A_204 : memref<1x4096xf32, #tpu.memory_space<vmem>> -> memref<4096xf32, #tpu.memory_space<vmem>>
      tpu.wait_dma2 semaphore(%arg9 : memref<!tpu.dma_semaphore, #tpu.memory_space<semaphore_mem>>) src(%dma_wait3A_205 : memref<4096xf32, #tpu.memory_space<vmem>>) dst(%dma_wait3A_202 : memref<4096xf32, #tpu.memory_space<hbm>>)
    }
    %dma_wait3A = arith.constant 0 : i32
    %dma_wait3A_59 = arith.constant 0 : i32
    %dma_wait3A_60 = tpu.memref_slice %arg2[%dma_wait3A, %dma_wait3A_59] : memref<848x100000xf32, #tpu.memory_space<hbm>> -> memref<1x100000xf32, #tpu.memory_space<hbm>>
    %dma_wait3A_61 = arith.constant 0 : i32
    %dma_wait3A_62 = arith.constant 0 : i32
    %dma_wait3A_63 = tpu.memref_slice %arg2[%dma_wait3A_61, %dma_wait3A_62] : memref<848x100000xf32, #tpu.memory_space<hbm>> -> memref<1x100000xf32, #tpu.memory_space<hbm>>
    tpu.wait_dma2 semaphore(%arg10 : memref<!tpu.dma_semaphore, #tpu.memory_space<semaphore_mem>>) src(%dma_wait3A_63 : memref<1x100000xf32, #tpu.memory_space<hbm>>) dst(%arg5 : memref<1x100000xf32, #tpu.memory_space<vmem>>)
    return
  }
}

module attributes {stable_mosaic.version = 14 : i64} {
  func.func @_mlp_body(%arg0: i32, %arg1: memref<848x1024xf32, #tpu.memory_space<vmem>>, %arg2: memref<1024x9xbf16, #tpu.memory_space<vmem>>, %arg3: memref<848x128xbf16, #tpu.memory_space<vmem>>, %arg4: memref<9x128xbf16, #tpu.memory_space<vmem>>, %arg5: memref<1x128xf32, #tpu.memory_space<vmem>>, %arg6: memref<128x128xbf16, #tpu.memory_space<vmem>>, %arg7: memref<1x128xf32, #tpu.memory_space<vmem>>, %arg8: memref<128x1xbf16, #tpu.memory_space<vmem>>, %arg9: memref<1x1xf32, #tpu.memory_space<vmem>>, %arg10: memref<1024x1xf32, #tpu.memory_space<vmem>>) attributes {dimension_semantics = [#tpu.dimension_semantics<arbitrary>], iteration_bounds = array<i64: 16>, scalar_prefetch = 0 : i64, scratch_operands = 0 : i64, tpu.core_type = #tpu.core_type<tc>, window_params = [{transform_indices = @transform_0, window_bounds = array<i64: 848, 1024>}, {transform_indices = @transform_1, window_bounds = array<i64: 1024, 9>}, {pipeline_mode = #tpu.pipeline_mode<synchronous>, transform_indices = @transform_2, window_bounds = array<i64: 848, 128>}, {pipeline_mode = #tpu.pipeline_mode<synchronous>, transform_indices = @transform_3, window_bounds = array<i64: 9, 128>}, {pipeline_mode = #tpu.pipeline_mode<synchronous>, transform_indices = @transform_4, window_bounds = array<i64: 1, 128>}, {pipeline_mode = #tpu.pipeline_mode<synchronous>, transform_indices = @transform_5, window_bounds = array<i64: 128, 128>}, {pipeline_mode = #tpu.pipeline_mode<synchronous>, transform_indices = @transform_6, window_bounds = array<i64: 1, 128>}, {pipeline_mode = #tpu.pipeline_mode<synchronous>, transform_indices = @transform_7, window_bounds = array<i64: 128, 1>}, {pipeline_mode = #tpu.pipeline_mode<synchronous>, transform_indices = @transform_8, window_bounds = array<i64: 1, 1>}, {transform_indices = @transform_9, window_bounds = array<i64: 1024, 1>}]} {
    %get3A = arith.constant 0 : index
    %get3A_0 = arith.constant 0 : index
    %get3A_1 = vector.load %arg1[%get3A, %get3A_0] : memref<848x1024xf32, #tpu.memory_space<vmem>>, vector<848x1024xf32>
    %bitcast_convert_type3A = tpu.bitcast %get3A_1 : vector<848x1024xf32> -> vector<848x1024xi32>
    %shift_right_logical3A = arith.constant 16 : i32
    %shift_right_logical3A_2 = vector.broadcast %shift_right_logical3A : i32 to vector<848x1024xi32>
    %shift_right_logical3A_3 = arith.shrui %bitcast_convert_type3A, %shift_right_logical3A_2 : vector<848x1024xi32>
    %and3A = arith.constant 1 : i32
    %and3A_4 = vector.broadcast %and3A : i32 to vector<848x1024xi32>
    %and3A_5 = arith.andi %shift_right_logical3A_3, %and3A_4 : vector<848x1024xi32>
    %add3A = arith.constant 32767 : i32
    %add3A_6 = vector.broadcast %add3A : i32 to vector<848x1024xi32>
    %add3A_7 = arith.addi %bitcast_convert_type3A, %add3A_6 : vector<848x1024xi32>
    %add3A_8 = arith.addi %add3A_7, %and3A_5 : vector<848x1024xi32>
    %and3A_9 = arith.constant -65536 : i32
    %and3A_10 = vector.broadcast %and3A_9 : i32 to vector<848x1024xi32>
    %and3A_11 = arith.andi %add3A_8, %and3A_10 : vector<848x1024xi32>
    %bitcast_convert_type3A_12 = tpu.bitcast %and3A_11 : vector<848x1024xi32> -> vector<848x1024xf32>
    %convert_element_type3A = arith.truncf %bitcast_convert_type3A_12 : vector<848x1024xf32> to vector<848x1024xbf16>
    %get3A_13 = arith.constant 0 : index
    %get3A_14 = arith.constant 0 : index
    %get3A_15 = vector.load %arg3[%get3A_13, %get3A_14] : memref<848x128xbf16, #tpu.memory_space<vmem>>, vector<848x128xbf16>
    %dot_general3A = arith.constant dense<0.000000e+00> : vector<1024x128xf32>
    %dot_general3A_16 = tpu.matmul %convert_element_type3A, %get3A_15, %dot_general3A {dimension_numbers = #tpu.dot_dimension_numbers<[0], [0], [1], [1], [0, 1, 1, 1], [], []>, transpose_lhs_hint = false} : vector<848x1024xbf16>, vector<848x128xbf16>, vector<1024x128xf32> -> vector<1024x128xf32>
    %get3A_17 = arith.constant 0 : index
    %get3A_18 = arith.constant 0 : index
    %get3A_19 = vector.load %arg2[%get3A_17, %get3A_18] : memref<1024x9xbf16, #tpu.memory_space<vmem>>, vector<1024x9xbf16>
    %get3A_20 = arith.constant 0 : index
    %get3A_21 = arith.constant 0 : index
    %get3A_22 = vector.load %arg4[%get3A_20, %get3A_21] : memref<9x128xbf16, #tpu.memory_space<vmem>>, vector<9x128xbf16>
    %dot_general3A_23 = arith.constant dense<0.000000e+00> : vector<1024x128xf32>
    %dot_general3A_24 = tpu.matmul %get3A_19, %get3A_22, %dot_general3A_23 {dimension_numbers = #tpu.dot_dimension_numbers<[1], [0], [0], [1], [0, 0, 1, 1], [], []>, transpose_lhs_hint = false} : vector<1024x9xbf16>, vector<9x128xbf16>, vector<1024x128xf32> -> vector<1024x128xf32>
    %add3A_25 = arith.addf %dot_general3A_16, %dot_general3A_24 : vector<1024x128xf32>
    %get3A_26 = arith.constant 0 : index
    %get3A_27 = arith.constant 0 : index
    %get3A_28 = vector.load %arg5[%get3A_26, %get3A_27] : memref<1x128xf32, #tpu.memory_space<vmem>>, vector<1x128xf32>
    %add3A_29 = vector.broadcast %get3A_28 : vector<1x128xf32> to vector<1024x128xf32>
    %add3A_30 = arith.addf %add3A_25, %add3A_29 : vector<1024x128xf32>
    %max3A = arith.constant 0.000000e+00 : f32
    %max3A_31 = vector.broadcast %max3A : f32 to vector<1024x128xf32>
    %max3A_32 = arith.maximumf %add3A_30, %max3A_31 : vector<1024x128xf32>
    %bitcast_convert_type3A_33 = tpu.bitcast %max3A_32 : vector<1024x128xf32> -> vector<1024x128xi32>
    %shift_right_logical3A_34 = arith.constant 16 : i32
    %shift_right_logical3A_35 = vector.broadcast %shift_right_logical3A_34 : i32 to vector<1024x128xi32>
    %shift_right_logical3A_36 = arith.shrui %bitcast_convert_type3A_33, %shift_right_logical3A_35 : vector<1024x128xi32>
    %and3A_37 = arith.constant 1 : i32
    %and3A_38 = vector.broadcast %and3A_37 : i32 to vector<1024x128xi32>
    %and3A_39 = arith.andi %shift_right_logical3A_36, %and3A_38 : vector<1024x128xi32>
    %add3A_40 = arith.constant 32767 : i32
    %add3A_41 = vector.broadcast %add3A_40 : i32 to vector<1024x128xi32>
    %add3A_42 = arith.addi %bitcast_convert_type3A_33, %add3A_41 : vector<1024x128xi32>
    %add3A_43 = arith.addi %add3A_42, %and3A_39 : vector<1024x128xi32>
    %and3A_44 = arith.constant -65536 : i32
    %and3A_45 = vector.broadcast %and3A_44 : i32 to vector<1024x128xi32>
    %and3A_46 = arith.andi %add3A_43, %and3A_45 : vector<1024x128xi32>
    %bitcast_convert_type3A_47 = tpu.bitcast %and3A_46 : vector<1024x128xi32> -> vector<1024x128xf32>
    %convert_element_type3A_48 = arith.truncf %bitcast_convert_type3A_47 : vector<1024x128xf32> to vector<1024x128xbf16>
    %get3A_49 = arith.constant 0 : index
    %get3A_50 = arith.constant 0 : index
    %get3A_51 = vector.load %arg6[%get3A_49, %get3A_50] : memref<128x128xbf16, #tpu.memory_space<vmem>>, vector<128x128xbf16>
    %dot_general3A_52 = arith.constant dense<0.000000e+00> : vector<1024x128xf32>
    %dot_general3A_53 = tpu.matmul %convert_element_type3A_48, %get3A_51, %dot_general3A_52 {dimension_numbers = #tpu.dot_dimension_numbers<[1], [0], [0], [1], [0, 0, 1, 1], [], []>, transpose_lhs_hint = false} : vector<1024x128xbf16>, vector<128x128xbf16>, vector<1024x128xf32> -> vector<1024x128xf32>
    %get3A_54 = arith.constant 0 : index
    %get3A_55 = arith.constant 0 : index
    %get3A_56 = vector.load %arg7[%get3A_54, %get3A_55] : memref<1x128xf32, #tpu.memory_space<vmem>>, vector<1x128xf32>
    %add3A_57 = vector.broadcast %get3A_56 : vector<1x128xf32> to vector<1024x128xf32>
    %add3A_58 = arith.addf %dot_general3A_53, %add3A_57 : vector<1024x128xf32>
    %max3A_59 = arith.constant 0.000000e+00 : f32
    %max3A_60 = vector.broadcast %max3A_59 : f32 to vector<1024x128xf32>
    %max3A_61 = arith.maximumf %add3A_58, %max3A_60 : vector<1024x128xf32>
    %bitcast_convert_type3A_62 = tpu.bitcast %max3A_61 : vector<1024x128xf32> -> vector<1024x128xi32>
    %shift_right_logical3A_63 = arith.constant 16 : i32
    %shift_right_logical3A_64 = vector.broadcast %shift_right_logical3A_63 : i32 to vector<1024x128xi32>
    %shift_right_logical3A_65 = arith.shrui %bitcast_convert_type3A_62, %shift_right_logical3A_64 : vector<1024x128xi32>
    %and3A_66 = arith.constant 1 : i32
    %and3A_67 = vector.broadcast %and3A_66 : i32 to vector<1024x128xi32>
    %and3A_68 = arith.andi %shift_right_logical3A_65, %and3A_67 : vector<1024x128xi32>
    %add3A_69 = arith.constant 32767 : i32
    %add3A_70 = vector.broadcast %add3A_69 : i32 to vector<1024x128xi32>
    %add3A_71 = arith.addi %bitcast_convert_type3A_62, %add3A_70 : vector<1024x128xi32>
    %add3A_72 = arith.addi %add3A_71, %and3A_68 : vector<1024x128xi32>
    %and3A_73 = arith.constant -65536 : i32
    %and3A_74 = vector.broadcast %and3A_73 : i32 to vector<1024x128xi32>
    %and3A_75 = arith.andi %add3A_72, %and3A_74 : vector<1024x128xi32>
    %bitcast_convert_type3A_76 = tpu.bitcast %and3A_75 : vector<1024x128xi32> -> vector<1024x128xf32>
    %convert_element_type3A_77 = arith.truncf %bitcast_convert_type3A_76 : vector<1024x128xf32> to vector<1024x128xbf16>
    %get3A_78 = arith.constant 0 : index
    %get3A_79 = arith.constant 0 : index
    %get3A_80 = vector.load %arg8[%get3A_78, %get3A_79] : memref<128x1xbf16, #tpu.memory_space<vmem>>, vector<128x1xbf16>
    %dot_general3A_81 = arith.constant dense<0.000000e+00> : vector<1024x1xf32>
    %dot_general3A_82 = tpu.matmul %convert_element_type3A_77, %get3A_80, %dot_general3A_81 {dimension_numbers = #tpu.dot_dimension_numbers<[1], [0], [0], [1], [0, 0, 1, 1], [], []>, transpose_lhs_hint = false} : vector<1024x128xbf16>, vector<128x1xbf16>, vector<1024x1xf32> -> vector<1024x1xf32>
    %get3A_83 = arith.constant 0 : index
    %get3A_84 = arith.constant 0 : index
    %get3A_85 = vector.load %arg9[%get3A_83, %get3A_84] : memref<1x1xf32, #tpu.memory_space<vmem>>, vector<1x1xf32>
    %add3A_86 = vector.broadcast %get3A_85 : vector<1x1xf32> to vector<1024x1xf32>
    %add3A_87 = arith.addf %dot_general3A_82, %add3A_86 : vector<1024x1xf32>
    %neg3A = arith.constant 0.000000e+00 : f32
    %neg3A_88 = vector.broadcast %neg3A : f32 to vector<1024x1xf32>
    %neg3A_89 = arith.subf %neg3A_88, %add3A_87 : vector<1024x1xf32>
    %exp3A = math.exp %neg3A_89 : vector<1024x1xf32>
    %add3A_90 = arith.constant 1.000000e+00 : f32
    %add3A_91 = vector.broadcast %add3A_90 : f32 to vector<1024x1xf32>
    %add3A_92 = arith.addf %add3A_91, %exp3A : vector<1024x1xf32>
    %div3A = arith.constant 1.000000e+00 : f32
    %div3A_93 = vector.broadcast %div3A : f32 to vector<1024x1xf32>
    %div3A_94 = arith.divf %div3A_93, %add3A_92 : vector<1024x1xf32>
    %swap3A = arith.constant 0 : index
    %swap3A_95 = arith.constant 0 : index
    %swap3A_96 = vector.load %arg10[%swap3A, %swap3A_95] : memref<1024x1xf32, #tpu.memory_space<vmem>>, vector<1024x1xf32>
    tpu.vector_store %arg10[%swap3A, %swap3A_95], %div3A_94 {strides = array<i32>} : memref<1024x1xf32, #tpu.memory_space<vmem>>, vector<1024x1xf32>,
    return
  }
  func.func @transform_0(%arg0: i32) -> (i32, i32) {
    %c0_i32 = arith.constant 0 : i32
    %c0_i32_0 = arith.constant 0 : i32
    return %c0_i32, %arg0 : i32, i32
  }
  func.func @transform_1(%arg0: i32) -> (i32, i32) {
    %c0_i32 = arith.constant 0 : i32
    %c0_i32_0 = arith.constant 0 : i32
    return %arg0, %c0_i32 : i32, i32
  }
  func.func @transform_2(%arg0: i32) -> (i32, i32) {
    %c0_i32 = arith.constant 0 : i32
    %c0_i32_0 = arith.constant 0 : i32
    %c0_i32_1 = arith.constant 0 : i32
    return %c0_i32, %c0_i32_0 : i32, i32
  }
  func.func @transform_3(%arg0: i32) -> (i32, i32) {
    %c0_i32 = arith.constant 0 : i32
    %c0_i32_0 = arith.constant 0 : i32
    %c0_i32_1 = arith.constant 0 : i32
    return %c0_i32, %c0_i32_0 : i32, i32
  }
  func.func @transform_4(%arg0: i32) -> (i32, i32) {
    %c0_i32 = arith.constant 0 : i32
    %c0_i32_0 = arith.constant 0 : i32
    %c0_i32_1 = arith.constant 0 : i32
    return %c0_i32, %c0_i32_0 : i32, i32
  }
  func.func @transform_5(%arg0: i32) -> (i32, i32) {
    %c0_i32 = arith.constant 0 : i32
    %c0_i32_0 = arith.constant 0 : i32
    %c0_i32_1 = arith.constant 0 : i32
    return %c0_i32, %c0_i32_0 : i32, i32
  }
  func.func @transform_6(%arg0: i32) -> (i32, i32) {
    %c0_i32 = arith.constant 0 : i32
    %c0_i32_0 = arith.constant 0 : i32
    %c0_i32_1 = arith.constant 0 : i32
    return %c0_i32, %c0_i32_0 : i32, i32
  }
  func.func @transform_7(%arg0: i32) -> (i32, i32) {
    %c0_i32 = arith.constant 0 : i32
    %c0_i32_0 = arith.constant 0 : i32
    %c0_i32_1 = arith.constant 0 : i32
    return %c0_i32, %c0_i32_0 : i32, i32
  }
  func.func @transform_8(%arg0: i32) -> (i32, i32) {
    %c0_i32 = arith.constant 0 : i32
    %c0_i32_0 = arith.constant 0 : i32
    %c0_i32_1 = arith.constant 0 : i32
    return %c0_i32, %c0_i32_0 : i32, i32
  }
  func.func @transform_9(%arg0: i32) -> (i32, i32) {
    %c0_i32 = arith.constant 0 : i32
    %c0_i32_0 = arith.constant 0 : i32
    return %arg0, %c0_i32 : i32, i32
  }
}

</mosaic_0001>

<sc_bundles>
// kernel: kernel.4.cloned.1.call-start
scs
__scs_entry_jumppad:
0x0: {  	(pc) =	sbr.rel $0x88, $3  }
0x1: {  	(tag) =	ssettag $0x0;
	lr =	simm.s32 $0x1  }
0x2: {  	[smem:$0x3F99] =	sst lr;
	_ =	strace $0xD0000000  }
0x3: {  	_ = 	snop  }
0x4: {  	_ = 	snop  }
0x5: {  	_ = 	snop  }
0x6: {  	_ = 	snop  }
0x7: {  	_ = 	snop  }
__scs_overlays_trampoline_lowered:
0x8: {  	[smem:$0x3FA8] =	sst s0  }
0x9: {  	[smem:$0x3FA9] =	sst s1  }
0xa: {  	[smem:$0x3FAA] =	sst s2  }
0xb: {  	[smem:$0x3FAB] =	sst s3  }
0xc: {  	[smem:$0x3FAC] =	sst s4  }
0xd: {  	[smem:$0x3FAD] =	sst s5  }
0xe: {  	[smem:$0x3FAE] =	sst s6  }
0xf: {  	[smem:$0x3FAF] =	sst s7  }
0x10: {  	[smem:$0x3FB0] =	sst s8  }
0x11: {  	[smem:$0x3FB1] =	sst s9;
	s0 =	simm.s32 @!p0 $0x0  }
0x12: {  	s1 =	sld [smem:$0x3F97];
	s0 =	simm.s32 @p0 $0x1  }
0x13: {  	[smem:$0x3FB2] =	sst s0;
	s0 =	simm.s32 @!p1 $0x0  }
0x14: {  	s2 =	sld [smem:$0x3F96];
	s0 =	simm.s32 @p1 $0x1  }
0x15: {  	[smem:$0x3FB3] =	sst s0;
	s0 =	simm.s32 @!p2 $0x0  }
0x16: {  	s3 =	sld [smem:$0x3FDB];
	s0 =	simm.s32 @p2 $0x1  }
0x17: {  	s4 =	simm.s32 $0x1BF5;
	[smem:$0x3FB5] =	sst s0  }
0x18: {  	s0 =	sld [smem:$0x3F98];
	_ =	swait.ge [sflag:s4], $0x0  }
0x19: {  	s7 =	sld [smem:$0x3F99]  }
0x1a: {  	s8 =	sadd.s32 $0xFFFFE003, lr  }
0x1b: {  	s9 =	sadd.s32 $0xFFFFFEF7, lr;
	s5 =	simm.s32 $0xFFFFFFFF;
	p2 =	slt.u32 s8, $0xFFFFF086  }
0x1c: {  	p1 =	slt.u32 s9, $0xF7A;
	s5 =	simm.s32 @!p2 $0x0  }
0x1d: {  	s5 =	simm.s32 @p1 $0x1;
	p0 =	seq.s32 s7, s2  }
0x1e: {  	s7 =	smul.u32 @!p0 $0xF7A, s2;
	p2 =	seq.s32 @!p0 s5, $0x0  }
0x1f: {  	s9 =	smul.u32 $0xF7A, s1;
	s8 =	simm.s32 @!p0 $0x1BF5;
	p2 =	por !p2, p0  }
0x20: {  	[sflag:s8] =	ssyncset.s32 @!p0 $0xFFFFF086;
	s6 =	sadd.s32 @!p0 s3, s7;
	s7 =	simm.s32 @!p0 $0x108  }
0x21: {  	s3 =	sadd.s32 s3, s9;
	s6 =	sadd.s32 @!p0 $0x88, s6;
	s7 =	simm.s32 @p2 $0x1082  }
0x22: {  	[simem:s7], [sflag:s8] =	dma.local @!p0 [hbm:s6], $0xF7A  }
0x23: {  	s9 =	sor.u32 $0xD0000000, s2;
	s6 =	simm.s32 $0x108;
	_ =	swait.ge @!p0 [sflag:s8], $0x0  }
0x24: {  	s3 =	sadd.s32 $0x88, s3;
	s6 =	simm.s32 @!p1 $0x1082;
	[sflag:s4] =	ssyncset.s32 $0xFFFFF086  }
0x25: {  	[simem:s6], [sflag:s4] =	dma.local [hbm:s3], $0xF7A  }
0x26: {  	[smem:$0x3F99] =	sst s1;
	(tag) =	ssettag s2;
	_ =	strace s9  }
0x27: {  	s1 =	sld [smem:$0x3FA9]  }
0x28: {  	s2 =	sld [smem:$0x3FAA]  }
0x29: {  	s4 =	sld [smem:$0x3FAC]  }
0x2a: {  	p0 =	seq.s32 s5, $0x0;
	s5 =	sld [smem:$0x3FAD]  }
0x2b: {  	s6 =	sld [smem:$0x3FAE]  }
0x2c: {  	s7 =	sld [smem:$0x3FAF]  }
0x2d: {  	s3 =	simm.s32 $0x108;
	s8 =	sld [smem:$0x3FB0]  }
0x2e: {  	s3 =	simm.s32 @!p0 $0x1082;
	s9 =	sld [smem:$0x3FB1]  }
0x2f: {  	lr =	sadd.s32 s0, s3;
	s0 =	sld [smem:$0x3FA8]  }
0x30: {  	s3 =	sld [smem:$0x3FAB]  }
0x31: {  	[smem:$0x3FB4] =	sst s10  }
0x32: {  	s10 =	sld [smem:$0x3FB2];
	_ =	sdelay $0x3  }
0x33: {  	p0 =	seq.s32 s10, $0x1;
	s10 =	sld [smem:$0x3FB4];
	_ =	sdelay $0x3  }
0x34: {  	[smem:$0x3FB4] =	sst s10  }
0x35: {  	s10 =	sld [smem:$0x3FB3];
	_ =	sdelay $0x3  }
0x36: {  	p1 =	seq.s32 s10, $0x1;
	s10 =	sld [smem:$0x3FB4];
	_ =	sdelay $0x3  }
0x37: {  	[smem:$0x3FB4] =	sst s10  }
0x38: {  	s10 =	sld [smem:$0x3FB5]  }
0x39: {  	_ = 	snop;
	(pc) =	sbr.ind lr, $3  }
0x3a: {  	_ = 	snop  }
0x3b: {  	_ = 	snop  }
0x3c: {  	p2 =	seq.s32 s10, $0x1;
	s10 =	sld [smem:$0x3FB4]  }
0x3d: {  	_ =	shalt  }
0x3e: {  	_ =	shalt  }
0x3f: {  	_ =	shalt  }
0x40: {  	_ =	shalt  }
0x41: {  	_ =	shalt  }
0x42: {  	_ =	shalt  }
0x43: {  	_ =	shalt  }
0x44: {  	_ =	shalt  }
0x45: {  	_ =	shalt  }
0x46: {  	_ =	shalt  }
0x47: {  	_ =	shalt  }
0x48: {  	_ =	shalt  }
0x49: {  	_ =	shalt  }
0x4a: {  	_ =	shalt  }
0x4b: {  	_ =	shalt  }
0x4c: {  	_ =	shalt  }
0x4d: {  	_ =	shalt  }
0x4e: {  	_ =	shalt  }
0x4f: {  	_ =	shalt  }
0x50: {  	_ =	shalt  }
0x51: {  	_ =	shalt  }
0x52: {  	_ =	shalt  }
0x53: {  	_ =	shalt  }
0x54: {  	_ =	shalt  }
0x55: {  	_ =	shalt  }
0x56: {  	_ =	shalt  }
0x57: {  	_ =	shalt  }
0x58: {  	_ =	shalt  }
0x59: {  	_ =	shalt  }
0x5a: {  	_ =	shalt  }
0x5b: {  	_ =	shalt  }
0x5c: {  	_ =	shalt  }
0x5d: {  	_ =	shalt  }
0x5e: {  	_ =	shalt  }
0x5f: {  	_ =	shalt  }
0x60: {  	_ =	shalt  }
0x61: {  	_ =	shalt  }
0x62: {  	_ =	shalt  }
0x63: {  	_ =	shalt  }
0x64: {  	_ =	shalt  }
0x65: {  	_ =	shalt  }
0x66: {  	_ =	shalt  }
0x67: {  	_ =	shalt  }
0x68: {  	_ =	shalt  }
0x69: {  	_ =	shalt  }
0x6a: {  	_ =	shalt  }
0x6b: {  	_ =	shalt  }
0x6c: {  	_ =	shalt  }
0x6d: {  	_ =	shalt  }
0x6e: {  	_ =	shalt  }
0x6f: {  	_ =	shalt  }
0x70: {  	_ =	shalt  }
0x71: {  	_ =	shalt  }
0x72: {  	_ =	shalt  }
0x73: {  	_ =	shalt  }
0x74: {  	_ =	shalt  }
0x75: {  	_ =	shalt  }
0x76: {  	_ =	shalt  }
0x77: {  	_ =	shalt  }
0x78: {  	_ =	shalt  }
0x79: {  	_ =	shalt  }
0x7a: {  	_ =	shalt  }
0x7b: {  	_ =	shalt  }
0x7c: {  	_ =	shalt  }
0x7d: {  	_ =	shalt  }
0x7e: {  	_ =	shalt  }
0x7f: {  	_ =	shalt  }
0x80: {  	_ =	shalt  }
0x81: {  	_ =	shalt  }
0x82: {  	_ =	shalt  }
0x83: {  	_ =	shalt  }
0x84: {  	_ =	shalt  }
0x85: {  	_ =	shalt  }
0x86: {  	_ =	shalt  }
0x87: {  	_ =	shalt  }
.Lfunc_end0:
.L_simem_size_0:
called_computation_lowered:
.L_overlay_start_0:
0x88: {  	s2 =	sld [smem:$0x3FD9]  }
0x89: {  	s3 =	sld [smem:$0x3FFE];
	_ =	sdelay $0x1  }
0x8a: {  	s1 =	srdreg.scid  }
0x8b: {  	s0 =	sand.u32 $0x1, s1  }
0x8c: {  	s17 =	sshll.u32 s0, $0xA;
	s2 =	sadd.s32 s3, s2  }
0x8d: {  	s2 =	sadd.s32 s2, s17  }
0x8e: {  	[smem:$0x3FC0] =	sst s2  }
0x8f: {  	_ = 	snop  }
0x90: {  	s2 =	sld [smem:$0x3FC8];
	(tm) =	ssettm $0x1  }
0x91: {  	s18 =	sld [smem:$0x3FFB];
	_ =	sdelay $0x3  }
0x92: {  	_ =	strace s18  }
0x93: {  	s3 =	sld [smem:$0x3FFC];
	_ =	sdelay $0x3  }
0x94: {  	_ =	strace s3  }
0x95: {  	s3 =	sld [smem:$0x3FFD];
	_ =	sdelay $0x3  }
0x96: {  	_ =	strace s3  }
0x97: {  	_ =	strace $0x8FFFFFFF  }
0x98: {  	s19 =	sld [smem:$0x3FDB];
	_ =	sdelay $0x1  }
0x99: {  	s4 =	simm.s32 $_scs_section_size  }
0x9a: {  	s5 =	simm.s32 $_size__tile_overlayer_lowered;
	s6 =	simm.s32 $_tile_overlayer_lowered  }
0x9b: {  	s22 =	simm.s32 $0x1BFF;
	s21 =	sshll.u32 s6, $0x1;
	s3 =	sadd.s32 s4, s19  }
0x9c: {  	s7 =	simm.s32 $0x0;
	s20 =	sshll.u32 s5, $0x1;
	s5 =	sadd.s32 s21, s3  }
0x9d: {  	[timem:s7], [sflag:s22] =	dma.local [hbm:s5], s20  }
0x9e: {  	_ =	swait.ge [sflag:s22], s20  }
0x9f: {  	s4 =	ssub.s32 $0x0, s20;
	[sflag:s22] =	ssyncset.done $0x0  }
0xa0: {  	[sflag:s22] =	ssyncadd.s32 s4;
	_ =	sdelay $0x1  }
0xa1: {  	s23 =	simm.s32 $0x1B8B  }
0xa2: {  	_ =	swait.ge [sflag:s23], $0x1  }
0xa3: {  	[sflag:s23] =	ssyncset.done $0x0  }
0xa4: {  	s25 =	simm.s32 $0x1B8E;
	s24 =	sld [smem:$0x3FFE];
	[sflag:s23] =	ssyncadd.s32 $0xFFFFFFFF  }
0xa5: {  	s26 =	simm.s32 $execute0_lowered;
	[smem:$0x3FD2] =	sst s25  }
0xa6: {  	s5 =	sshll.u32 s26, $0x1;
	_ =	strace $0x80000046;
	[dreg:$0x1] =	wrdreg $0xFFFFFFFF  }
0xa7: {  	s28 =	simm.s32 $_size_execute0_lowered;
	s3 =	sadd.s32 s3, s5;
	[dreg:$0x0] =	wrdreg $0x0  }
0xa8: {  	s5 =	sshll.u32 s28, $0x1;
	[dreg:$0x2] =	wrdreg s3  }
0xa9: {  	[dreg:$0x3] =	wrdreg s5  }
0xaa: {  	[dreg:$0x4] =	wrdreg $0xC0  }
0xab: {  	_ =	task [dreg:s7], $0x5FFFF  }
0xac: {  	[dreg:$0x1] =	wrdreg $0xFFFFFFFF  }
0xad: {  	[dreg:$0x0] =	wrdreg $0x60  }
0xae: {  	[dreg:$0x2] =	wrdreg s2  }
0xaf: {  	[dreg:$0x3] =	wrdreg s24  }
0xb0: {  	[dreg:$0x4] =	wrdreg $0x9  }
0xb1: {  	_ =	task.clear_ibuf [dreg:s7], $0x5FFFF;
	_ =	strace $0x90000046  }
0xb2: {  	s29 =	simm.s32 $0x9;
	_ =	strace $0x80000048  }
0xb3: {  	_ =	swait.ge [sflag:s29], $0x1  }
0xb4: {  	[sflag:s29] =	ssyncadd.s32 $0xFFFFFFFF  }
0xb5: {  	_ =	strace $0x90000048  }
0xb6: {  	_ =	sfence  }
0xb7: {  	s30 =	sld [smem:$0x0];
	_ =	sdelay $0x2  }
0xb8: {  	s31 =	sshll.u32 s1, $0xD;
	s1 =	sshrl.u32 s1, $0x2  }
0xb9: {  	s3 =	sand.u32 $0x4000, s31;
	s1 =	sadd.s32 s1, s30  }
0xba: {  	s0 =	sor.u32 s3, s0;
	s1 =	sshll.u32 s1, $0x11  }
0xbb: {  	s0 =	sor.u32 s1, s0  }
0xbc: {  	s0 =	sadd.s32 $0x8F2B, s0  }
0xbd: {  	[sflag:s0] =	ssyncadd.remote.s32 $0x1  }
0xbe: {  	_ =	sfence.sel $0xFFFF  }
0xbf: {  	[dreg:$0x0] =	wrdreg $0xFFFFFFFF;
	(pc) =	sbr.abs _section_cstart, $3  }
0xc0: {  	[dreg:$0x1] =	wrdreg $0xFFFFFFFF  }
0xc1: {  	_ =	task.clear_ibuf [dreg:s7], $0x2FFFF;
	_ =	strace $0x9FFFFFFF  }
0xc2: {  	(tm) =	ssettm $0x7FFFFFFF  }
0xc3: {  	_ =	shalt  }
tec
execute0_lowered:
.L_overlay_start_1:
0x0: {  	(tag) =	ssettag $0x1  }
0x1: {  	s2 =	rddreg [dreg:$0x0]  }
0x2: {  	s0 =	stileid.u32;
	s13 =	rddreg [dreg:$0x1]  }
0x3: {  	s3 =	srdreg.scid;
	s1 =	rddreg [dreg:$0x2]  }
0x4: {  	s16 =	simm.s32 $0x4;
	s17 =	simm.s32 $0x80;
	s18 =	simm.s32 $0x400  }
0x5: {  	s19 =	simm.s32 $0x3;
	s20 =	simm.s32 $0x1;
	s21 =	simm.s32 $0x2  }
0x6: {  	s22 =	simm.s32 $0x0;
	s4 =	sshll.u32 s0, $0x1;
	s6 =	sand.u32 $0x1, s3  }
0x7: {  	s3 =	simm.s32 $0x0;
	s5 =	sshrl.u32 s0, $0x2;
	s4 =	sand.u32 $0x6, s4  }
0x8: {  	[smem:$0x7FF] =	sst s3;
	s30 =	smul.u32 $0x149E800, s5;
	s9 =	ssub.s32 $0x2, s6  }
0x9: {  	s10 =	sor.u32 s6, s4;
	s4 =	smul.u32 $0x1B, s5;
	_ =	strace $0x80000047  }
0xa: {  	s5 =	sadd.s32 $0x4A00, s13;
	s11 =	sshrl.u32 s9, $0x1;
	s7 =	sshll.u32 s10, $0xB  }
0xb: {  	s6 =	sshll.u32 s10, $0x7;
	s15 =	ssub.s32 s9, s11;
	s10 =	sshll.u32 s10, $0xE  }
0xc: {  	s11 =	sadd.s32 $0x4C00, s13;
	s12 =	ssub.s32 $0x6A, s4;
	s14 =	sor.u32 s6, s30  }
0xd: {  	s8 =	sadd.s32 s7, s13;
	s7 =	smin.u32 s12, $0x1B;
	s31 =	sshrl.u32 s14, $0x3  }
0xe: {  	s8 =	sadd.s32 $0xA00, s8;
	s12 =	sadd.s32 $0x4E00, s13;
	s13 =	sadd.s32 $0x5000, s13  }
0xf: {  	s14 =	smax.u32 s15, $0x1;
	s15 =	simm.s32 $0x18700;
	s9 =	sadd.s32 s2, s31  }
.LBB2_1:
0x10: {  	[tilespmem:s15], [sflag:$0x4] =	stream.linear.gather [hbm4b:s8+s3], $0x4000, $0x38;
	[tilespmem:$0x1E700] =	vst v63  }
0x11: {  	_ =	swait.ge [sflag:s16], $0x4000  }
0x12: {  	[sflag:s16] =	ssyncset.done $0x0  }
0x13: {  	s23 =	simm.s32 $0x0;
	[sflag:s16] =	ssyncadd.s32 $0xFFFFC000  }
0x14: {  	[tilespmem:s3], [sflag:$0x3] =	stream.strided.gather [hbm4b:s9+s17], $0x18700, s18, s17, $0x38;
	[tilespmem:$0x1E700] =	vst v63  }
.LBB2_2:
0x15: {  	_ =	swait.ge [sflag:s19], $0x18700  }
0x16: {  	[sflag:s19] =	ssyncset.done $0x0  }
0x17: {  	s24 =	simm.s32 $0x0;
	s25 =	simm.s32 $0x18740;
	[sflag:s19] =	ssyncadd.s32 $0xFFFE7900  }
.LBB2_3:
0x18: {  	v0 =	vld [tilespmem:s25+$0xFFFFFFC0];
	_ =	sdelay $0x7  }
0x19: {  	v0 =	vld.idx.msk [tilespmem:v0+s3+$0x0], $0xffff;
	_ =	sdelay $0x3  }
0x1a: {  	s26 =	sshra.s32 s24, $0x2  }
0x1b: {  	[tilespmem:s26+$0x1C700] =	vst v0  }
0x1c: {  	v0 =	vld [tilespmem:s25+$0xFFFFFFD0];
	_ =	sdelay $0x7  }
0x1d: {  	v0 =	vld.idx.msk [tilespmem:v0+s3+$0x0], $0xffff;
	_ =	sdelay $0x4  }
0x1e: {  	[tilespmem:s26+$0x1C710] =	vst v0  }
0x1f: {  	v0 =	vld [tilespmem:s25+$0xFFFFFFE0];
	_ =	sdelay $0x7  }
0x20: {  	v0 =	vld.idx.msk [tilespmem:v0+s3+$0x0], $0xffff;
	_ =	sdelay $0x4  }
0x21: {  	[tilespmem:s26+$0x1C720] =	vst v0  }
0x22: {  	v0 =	vld [tilespmem:s25+$0xFFFFFFF0];
	_ =	sdelay $0x7  }
0x23: {  	v0 =	vld.idx.msk [tilespmem:v0+s3+$0x0], $0xffff;
	_ =	sdelay $0x4  }
0x24: {  	[tilespmem:s26+$0x1C730] =	vst v0  }
0x25: {  	v0 =	vld [tilespmem:s25+$0x0];
	_ =	sdelay $0x7  }
0x26: {  	v0 =	vld.idx.msk [tilespmem:v0+s3+$0x0], $0xffff;
	_ =	sdelay $0x4  }
0x27: {  	[tilespmem:s26+$0x1C740] =	vst v0  }
0x28: {  	v0 =	vld [tilespmem:s25+$0x10];
	_ =	sdelay $0x7  }
0x29: {  	v0 =	vld.idx.msk [tilespmem:v0+s3+$0x0], $0xffff;
	_ =	sdelay $0x4  }
0x2a: {  	[tilespmem:s26+$0x1C750] =	vst v0  }
0x2b: {  	v0 =	vld [tilespmem:s25+$0x20];
	_ =	sdelay $0x7  }
0x2c: {  	v0 =	vld.idx.msk [tilespmem:v0+s3+$0x0], $0xffff;
	_ =	sdelay $0x4  }
0x2d: {  	[tilespmem:s26+$0x1C760] =	vst v0  }
0x2e: {  	v0 =	vld [tilespmem:s25+$0x30];
	_ =	sdelay $0x7  }
0x2f: {  	p0 =	sne.s32 s24, $0x7C00;
	v0 =	vld.idx.msk [tilespmem:v0+s3+$0x0], $0xffff  }
.Ltmp0:
0x30: {  	_ = 	snop;
	(pc) =	sbr.rel @p0 .LBB2_3-.Ltmp0, $2  }
0x31: {  	_ =	sdelay $0x2  }
0x32: {  	s24 =	sadd.s32 $0x400, s24;
	s25 =	sadd.s32 $0x80, s25;
	[tilespmem:s26+$0x1C770] =	vst v0  }
0x33: {  	s24 =	sadd.s32 s4, s23  }
0x34: {  	s24 =	sshll.u32 s24, $0x11  }
0x35: {  	s24 =	sor.u32 s10, s24  }
0x36: {  	s25 =	simm.s32 $0x0;
	s24 =	sshrl.u32 s24, $0x3  }
0x37: {  	s28 =	simm.s32 $0x1C700;
	s29 =	simm.s32 $0x0;
	s26 =	sadd.s32 s5, s24  }
.LBB2_5:
0x38: {  	p0 =	sne.s32 s29, $0x1F0  }
.Ltmp1:
0x39: {  	_ = 	snop;
	(pc) =	sbr.rel @p0 .LBB2_5-.Ltmp1, $4  }
0x3a: {  	_ = 	snop  }
0x3b: {  	s30 =	sadd.s32 s29, s26  }
0x3c: {  	[hbm4b:s30+s25] =	stream.linear.scatter [tilespmem:s28], [sflag:$0x1], $0x80, $0x38;
	[tilespmem:$0x1E700] =	vst v63  }
0x3d: {  	s29 =	sadd.s32 $0x10, s29;
	s28 =	sadd.s32 $0x100, s28  }
0x3e: {  	s26 =	simm.s32 $0x1C7F0  }
.LBB2_7:
0x3f: {  	s28 =	sshra.s32 s25, $0x2  }
0x40: {  	v0 =	vld [tilespmem:s28+$0x19700];
	_ =	sdelay $0x7  }
0x41: {  	v0 =	vld.idx.msk [tilespmem:v0+s3+$0x0], $0xffff;
	_ =	sdelay $0x4  }
0x42: {  	[tilespmem:s26+$0xFFFFFF90] =	vst v0  }
0x43: {  	v0 =	vld [tilespmem:s28+$0x19710];
	_ =	sdelay $0x7  }
0x44: {  	v0 =	vld.idx.msk [tilespmem:v0+s3+$0x0], $0xffff;
	_ =	sdelay $0x4  }
0x45: {  	[tilespmem:s26+$0xFFFFFFA0] =	vst v0  }
0x46: {  	v0 =	vld [tilespmem:s28+$0x19720];
	_ =	sdelay $0x7  }
0x47: {  	v0 =	vld.idx.msk [tilespmem:v0+s3+$0x0], $0xffff;
	_ =	sdelay $0x4  }
0x48: {  	[tilespmem:s26+$0xFFFFFFB0] =	vst v0  }
0x49: {  	v0 =	vld [tilespmem:s28+$0x19730];
	_ =	sdelay $0x7  }
0x4a: {  	v0 =	vld.idx.msk [tilespmem:v0+s3+$0x0], $0xffff;
	_ =	sdelay $0x4  }
0x4b: {  	[tilespmem:s26+$0xFFFFFFC0] =	vst v0  }
0x4c: {  	v0 =	vld [tilespmem:s28+$0x19740];
	_ =	sdelay $0x7  }
0x4d: {  	v0 =	vld.idx.msk [tilespmem:v0+s3+$0x0], $0xffff;
	_ =	sdelay $0x4  }
0x4e: {  	[tilespmem:s26+$0xFFFFFFD0] =	vst v0  }
0x4f: {  	v0 =	vld [tilespmem:s28+$0x19750];
	_ =	sdelay $0x7  }
0x50: {  	v0 =	vld.idx.msk [tilespmem:v0+s3+$0x0], $0xffff;
	_ =	sdelay $0x4  }
0x51: {  	[tilespmem:s26+$0xFFFFFFE0] =	vst v0  }
0x52: {  	v0 =	vld [tilespmem:s28+$0x19760];
	_ =	sdelay $0x7  }
0x53: {  	v0 =	vld.idx.msk [tilespmem:v0+s3+$0x0], $0xffff;
	_ =	sdelay $0x4  }
0x54: {  	[tilespmem:s26+$0xFFFFFFF0] =	vst v0  }
0x55: {  	v0 =	vld [tilespmem:s28+$0x19770];
	_ =	sdelay $0x7  }
0x56: {  	p0 =	sne.s32 s25, $0x3E00;
	v0 =	vld.idx.msk [tilespmem:v0+s3+$0x0], $0xffff  }
.Ltmp2:
0x57: {  	_ = 	snop;
	(pc) =	sbr.rel @p0 .LBB2_7-.Ltmp2, $2  }
0x58: {  	_ =	sdelay $0x2  }
0x59: {  	s25 =	sadd.s32 $0x200, s25;
	[tilespmem:s26+$0x0] =	vst v0;
	s26 =	sadd.s32 $0x100, s26  }
0x5a: {  	s25 =	sadd.s32 s24, s11;
	s26 =	simm.s32 $0x1C780  }
0x5b: {  	s28 =	simm.s32 $0x10;
	s29 =	simm.s32 $0x1C880;
	s30 =	sadd.s32 $0x0, s25  }
.LBB2_9:
0x5c: {  	[hbm4b:s30+s3] =	stream.linear.scatter [tilespmem:s26], [sflag:$0x2], $0x80, $0x38;
	[tilespmem:$0x1E700] =	vst v63  }
0x5d: {  	s30 =	smov.u32 s28;
	s26 =	smov.u32 s29;
	p0 =	sne.s32 s28, $0x1F0  }
.Ltmp3:
0x5e: {  	s28 =	sadd.s32 $0x10, s28;
	(pc) =	sbr.rel @p0 .LBB2_9-.Ltmp3, $2  }
0x5f: {  	_ =	sdelay $0x2  }
0x60: {  	s29 =	sadd.s32 $0x100, s29;
	s30 =	sadd.s32 s30, s25  }
0x61: {  	[hbm4b:s30+s3] =	stream.linear.scatter [tilespmem:s26], [sflag:$0x2], $0x80, $0x38;
	[tilespmem:$0x1E700] =	vst v63  }
0x62: {  	_ =	swait.ge [sflag:s20], $0x1000  }
0x63: {  	[sflag:s20] =	ssyncset.done $0x0  }
0x64: {  	s25 =	simm.s32 $0x0;
	s26 =	simm.s32 $0x1A770;
	[sflag:s20] =	ssyncadd.s32 $0xFFFFF000  }
.LBB2_11:
0x65: {  	v0 =	vld [tilespmem:s26+$0xFFFFFF90];
	_ =	sdelay $0x7  }
0x66: {  	v0 =	vld.idx.msk [tilespmem:v0+s3+$0x0], $0xffff;
	_ =	sdelay $0x3  }
0x67: {  	s28 =	sshra.s32 s25, $0x2  }
0x68: {  	[tilespmem:s28+$0x1C700] =	vst v0  }
0x69: {  	v0 =	vld [tilespmem:s26+$0xFFFFFFA0];
	_ =	sdelay $0x7  }
0x6a: {  	v0 =	vld.idx.msk [tilespmem:v0+s3+$0x0], $0xffff;
	_ =	sdelay $0x4  }
0x6b: {  	[tilespmem:s28+$0x1C710] =	vst v0  }
0x6c: {  	v0 =	vld [tilespmem:s26+$0xFFFFFFB0];
	_ =	sdelay $0x7  }
0x6d: {  	v0 =	vld.idx.msk [tilespmem:v0+s3+$0x0], $0xffff;
	_ =	sdelay $0x4  }
0x6e: {  	[tilespmem:s28+$0x1C720] =	vst v0  }
0x6f: {  	v0 =	vld [tilespmem:s26+$0xFFFFFFC0];
	_ =	sdelay $0x7  }
0x70: {  	v0 =	vld.idx.msk [tilespmem:v0+s3+$0x0], $0xffff;
	_ =	sdelay $0x4  }
0x71: {  	[tilespmem:s28+$0x1C730] =	vst v0  }
0x72: {  	v0 =	vld [tilespmem:s26+$0xFFFFFFD0];
	_ =	sdelay $0x7  }
0x73: {  	v0 =	vld.idx.msk [tilespmem:v0+s3+$0x0], $0xffff;
	_ =	sdelay $0x4  }
0x74: {  	[tilespmem:s28+$0x1C740] =	vst v0  }
0x75: {  	v0 =	vld [tilespmem:s26+$0xFFFFFFE0];
	_ =	sdelay $0x7  }
0x76: {  	v0 =	vld.idx.msk [tilespmem:v0+s3+$0x0], $0xffff;
	_ =	sdelay $0x4  }
0x77: {  	[tilespmem:s28+$0x1C750] =	vst v0  }
0x78: {  	v0 =	vld [tilespmem:s26+$0xFFFFFFF0];
	_ =	sdelay $0x7  }
0x79: {  	v0 =	vld.idx.msk [tilespmem:v0+s3+$0x0], $0xffff;
	_ =	sdelay $0x4  }
0x7a: {  	[tilespmem:s28+$0x1C760] =	vst v0  }
0x7b: {  	v0 =	vld [tilespmem:s26+$0x0];
	_ =	sdelay $0x7  }
0x7c: {  	p0 =	sne.s32 s25, $0x7C00;
	v0 =	vld.idx.msk [tilespmem:v0+s3+$0x0], $0xffff  }
.Ltmp4:
0x7d: {  	_ = 	snop;
	(pc) =	sbr.rel @p0 .LBB2_11-.Ltmp4, $2  }
0x7e: {  	_ =	sdelay $0x2  }
0x7f: {  	s25 =	sadd.s32 $0x400, s25;
	s26 =	sadd.s32 $0x80, s26;
	[tilespmem:s28+$0x1C770] =	vst v0  }
0x80: {  	s25 =	sadd.s32 s24, s12;
	s26 =	simm.s32 $0x1C700  }
0x81: {  	s28 =	simm.s32 $0x10;
	s29 =	simm.s32 $0x1C800;
	s30 =	sadd.s32 $0x0, s25  }
.LBB2_13:
0x82: {  	[hbm4b:s30+s3] =	stream.linear.scatter [tilespmem:s26], [sflag:$0x1], $0x80, $0x38;
	[tilespmem:$0x1E700] =	vst v63  }
0x83: {  	s30 =	smov.u32 s28;
	s26 =	smov.u32 s29;
	p0 =	sne.s32 s28, $0x1F0  }
.Ltmp5:
0x84: {  	s28 =	sadd.s32 $0x10, s28;
	(pc) =	sbr.rel @p0 .LBB2_13-.Ltmp5, $2  }
0x85: {  	_ =	sdelay $0x2  }
0x86: {  	s29 =	sadd.s32 $0x100, s29;
	s30 =	sadd.s32 s30, s25  }
0x87: {  	[hbm4b:s30+s3] =	stream.linear.scatter [tilespmem:s26], [sflag:$0x1], $0x80, $0x38;
	[tilespmem:$0x1E700] =	vst v63  }
0x88: {  	_ =	swait.ge [sflag:s21], $0x1000  }
0x89: {  	[sflag:s21] =	ssyncset.done $0x0  }
0x8a: {  	s25 =	simm.s32 $0x0;
	s26 =	simm.s32 $0x1C7F0;
	[sflag:s21] =	ssyncadd.s32 $0xFFFFF000  }
.LBB2_15:
0x8b: {  	s28 =	sshra.s32 s25, $0x2  }
0x8c: {  	v0 =	vld [tilespmem:s28+$0x1B700];
	_ =	sdelay $0x7  }
0x8d: {  	v0 =	vld.idx.msk [tilespmem:v0+s3+$0x0], $0xffff;
	_ =	sdelay $0x4  }
0x8e: {  	[tilespmem:s26+$0xFFFFFF90] =	vst v0  }
0x8f: {  	v0 =	vld [tilespmem:s28+$0x1B710];
	_ =	sdelay $0x7  }
0x90: {  	v0 =	vld.idx.msk [tilespmem:v0+s3+$0x0], $0xffff;
	_ =	sdelay $0x4  }
0x91: {  	[tilespmem:s26+$0xFFFFFFA0] =	vst v0  }
0x92: {  	v0 =	vld [tilespmem:s28+$0x1B720];
	_ =	sdelay $0x7  }
0x93: {  	v0 =	vld.idx.msk [tilespmem:v0+s3+$0x0], $0xffff;
	_ =	sdelay $0x4  }
0x94: {  	[tilespmem:s26+$0xFFFFFFB0] =	vst v0  }
0x95: {  	v0 =	vld [tilespmem:s28+$0x1B730];
	_ =	sdelay $0x7  }
0x96: {  	v0 =	vld.idx.msk [tilespmem:v0+s3+$0x0], $0xffff;
	_ =	sdelay $0x4  }
0x97: {  	[tilespmem:s26+$0xFFFFFFC0] =	vst v0  }
0x98: {  	v0 =	vld [tilespmem:s28+$0x1B740];
	_ =	sdelay $0x7  }
0x99: {  	v0 =	vld.idx.msk [tilespmem:v0+s3+$0x0], $0xffff;
	_ =	sdelay $0x4  }
0x9a: {  	[tilespmem:s26+$0xFFFFFFD0] =	vst v0  }
0x9b: {  	v0 =	vld [tilespmem:s28+$0x1B750];
	_ =	sdelay $0x7  }
0x9c: {  	v0 =	vld.idx.msk [tilespmem:v0+s3+$0x0], $0xffff;
	_ =	sdelay $0x4  }
0x9d: {  	[tilespmem:s26+$0xFFFFFFE0] =	vst v0  }
0x9e: {  	v0 =	vld [tilespmem:s28+$0x1B760];
	_ =	sdelay $0x7  }
0x9f: {  	v0 =	vld.idx.msk [tilespmem:v0+s3+$0x0], $0xffff;
	_ =	sdelay $0x4  }
0xa0: {  	[tilespmem:s26+$0xFFFFFFF0] =	vst v0  }
0xa1: {  	v0 =	vld [tilespmem:s28+$0x1B770];
	_ =	sdelay $0x7  }
0xa2: {  	p0 =	sne.s32 s25, $0x3E00;
	v0 =	vld.idx.msk [tilespmem:v0+s3+$0x0], $0xffff  }
.Ltmp6:
0xa3: {  	_ = 	snop;
	(pc) =	sbr.rel @p0 .LBB2_15-.Ltmp6, $2  }
0xa4: {  	_ =	sdelay $0x2  }
0xa5: {  	s25 =	sadd.s32 $0x200, s25;
	[tilespmem:s26+$0x0] =	vst v0;
	s26 =	sadd.s32 $0x100, s26  }
0xa6: {  	s23 =	sadd.s32 $0x1, s23  }
0xa7: {  	s25 =	sadd.s32 s4, s23  }
0xa8: {  	p0 =	slt.s32 s25, $0x69  }
0xa9: {  	s25 =	simm.s32 @!p0 $0x69  }
0xaa: {  	s25 =	smul.u32 $0xC3800, s25;
	_ =	sdelay $0x1  }
0xab: {  	s25 =	sor.u32 s6, s25  }
0xac: {  	s26 =	simm.s32 $0x0;
	s25 =	sshrl.u32 s25, $0x3  }
0xad: {  	s24 =	sadd.s32 s24, s13;
	s28 =	simm.s32 $0x1C880;
	s25 =	sadd.s32 s2, s25  }
0xae: {  	[tilespmem:s26], [sflag:$0x3] =	stream.strided.gather [hbm4b:s25+s17], $0x18700, s18, s17, $0x38;
	[tilespmem:$0x1E700] =	vst v63  }
0xaf: {  	s29 =	sadd.s32 $0x0, s24;
	s25 =	simm.s32 $0x1C780;
	s26 =	simm.s32 $0x10  }
.LBB2_17:
0xb0: {  	[hbm4b:s29+s3] =	stream.linear.scatter [tilespmem:s25], [sflag:$0x2], $0x80, $0x38;
	[tilespmem:$0x1E700] =	vst v63  }
0xb1: {  	s29 =	smov.u32 s26;
	s25 =	smov.u32 s28;
	p0 =	sne.s32 s26, $0x1F0  }
.Ltmp7:
0xb2: {  	s26 =	sadd.s32 $0x10, s26;
	(pc) =	sbr.rel @p0 .LBB2_17-.Ltmp7, $2  }
0xb3: {  	_ =	sdelay $0x2  }
0xb4: {  	s28 =	sadd.s32 $0x100, s28;
	s29 =	sadd.s32 s29, s24  }
0xb5: {  	[hbm4b:s29+s3] =	stream.linear.scatter [tilespmem:s25], [sflag:$0x2], $0x80, $0x38;
	[tilespmem:$0x1E700] =	vst v63  }
0xb6: {  	p0 =	sne.s32 s23, s7;
	_ =	swait.ge [sflag:s20], $0x1000  }
.Ltmp8:
0xb7: {  	[sflag:s20] =	ssyncset.done $0x0;
	(pc) =	sbr.rel @p0 .LBB2_2-.Ltmp8, $4  }
0xb8: {  	[sflag:s20] =	ssyncadd.s32 $0xFFFFF000  }
0xb9: {  	_ =	swait.ge [sflag:s21], $0x1000  }
0xba: {  	[sflag:s21] =	ssyncset.done $0x0  }
0xbb: {  	[sflag:s21] =	ssyncadd.s32 $0xFFFFF000  }
0xbc: {  	s22 =	sadd.s32 $0x1, s22  }
0xbd: {  	p0 =	sne.s32 s22, s14  }
.Ltmp9:
0xbe: {  	_ = 	snop;
	(pc) =	sbr.rel @p0 .LBB2_1-.Ltmp9, $4  }
0xbf: {  	_ = 	snop  }
0xc0: {  	_ =	swait.ge [sflag:s19], $0x18700  }
0xc1: {  	[sflag:s19] =	ssyncset.done $0x0  }
0xc2: {  	[sflag:s19] =	ssyncadd.s32 $0xFFFE7900  }
0xc3: {  	_ =	sfence.sel $0x180000  }
0xc4: {  	[bflag:$0x0] =	sbarrier.arrive $0xFFFF  }
0xc5: {  	p0 =	sne.s32 s0, $0x0;
	_ =	strace $0x90000047  }
0xc6: {  	s0 =	sadd.s32 @!p0 $0x100000, s1;
	[bflag:$0x2] =	sbarrier.arrive $0xFFFF  }
0xc7: {  	[sflag:s0] =	ssyncadd.tile.s32 @!p0 $0x1;
	_ =	shalt  }
.Lfunc_end2:
_tile_overlayer_lowered:
.L_overlay_start_2:
0xc8: {  	(tag) =	ssettag $0x2  }
0xc9: {  	s0 =	rddreg [dreg:$0x0];
	s2 =	stileid.u32  }
0xca: {  	s1 =	rddreg [dreg:$0x1];
	p0 =	sne.s32 s2, $0x0  }
0xcb: {  	s3 =	rddreg [dreg:$0x2];
	[bflag:$0x3] =	sbarrier.arrive $0xFFFF;
	s2 =	simm.s32 @!p0 $0x1C04  }
0xcc: {  	[timem:s3], [sflag:s2] =	dma.local @!p0 [hbm:s0], s1  }
0xcd: {  	s0 =	simm.s32 @!p0 $0x4  }
0xce: {  	_ =	swait.ge @!p0 [sflag:s0], s1  }
0xcf: {  	s1 =	ssub.s32 @!p0 $0x0, s1;
	[sflag:s0] =	ssyncset.done @!p0 $0x0  }
0xd0: {  	[sflag:s0] =	ssyncadd.s32 @!p0 s1  }
0xd1: {  	[bflag:$0x3] =	sbarrier.arrive $0xFFFF  }
0xd2: {  	_ =	shalt  }

</sc_bundles>
